<compile_context>
chip_gen: v7x
topology: tpu7x:2x2x1
jax: 0.10.2.dev20260603
libtpu: 0.0.44.dev20260713+nightly
codegen_flags: <defaults>
</compile_context>

<pallas_src>
import functools

import jax
import jax.numpy as jnp
from jax import lax
from jax.experimental import pallas as pl
from jax.experimental.pallas import tpu as pltpu
from jax.experimental.pallas import tpu_sc as plsc

_NE = 512
_ED = 64
_N = 2048
_M = 4
_EDP = 128


def _topm_kernel(x_ref, cb_ref, idx_ref, cbp_ref):
    xb = x_ref[...]
    cb = cb_ref[...]
    s = lax.dot_general(cb, xb.T, (((1,), (0,)), ((), ())),
                        precision=lax.Precision.HIGHEST,
                        preferred_element_type=jnp.float32)
    cn = jnp.sum(cb * cb, axis=1, keepdims=True)
    d = cn - (s + s)
    siota = lax.broadcasted_iota(jnp.int32, d.shape, 0)
    rows = []
    for _ in range(_M):
        dmin = jnp.min(d, axis=0, keepdims=True)
        km = jnp.min(jnp.where(d == dmin, siota, _NE), axis=0, keepdims=True)
        rows.append(km)
        d = jnp.where(siota == km, jnp.float32(jnp.inf), d)
    idx_ref[...] = jnp.concatenate(rows, axis=0)
    cbp_ref[...] = jnp.concatenate(
        [cb, jnp.zeros((_NE, _EDP - _ED), jnp.float32)], axis=1)


def _rescore_kernel(x_ref, cand_ref, ck_ref, out_ref, loss_ref):
    xbT = x_ref[...].T
    cmTs = []
    srows = []
    for m in range(_M):
        cmT = cand_ref[m][:, 0:_ED].T
        cmTs.append(cmT)
        t = xbT - cmT
        d2 = t * t
        sm = None
        for g in range(8):
            blk = d2[g * 8:g * 8 + 8]
            u = blk[0:4] + blk[4:8]
            v = u[0:2] + u[2:4]
            f = v[0:1] + v[1:2]
            sm = f if sm is None else sm + f
        srows.append(sm)
    s = jnp.concatenate(srows, axis=0)
    ckT = ck_ref[...]
    dminc = jnp.min(s, axis=0, keepdims=True)
    wk = jnp.min(jnp.where(s == dminc, ckT, _NE), axis=0, keepdims=True)
    q = jnp.zeros_like(xbT)
    for m in range(_M):
        q = q + jnp.where(ckT[m:m + 1] == wk, cmTs[m], jnp.float32(0.0))
    outT = xbT + (q - xbT)
    out_ref[...] = outT.T
    dd = q - xbT
    mean = jnp.sum(dd * dd) / jnp.float32(_N * _ED)
    loss_ref[...] = (mean + jnp.float32(0.25) * mean).reshape(1, 1)


def _make_sc_gather():
    info = plsc.get_sparse_core_info()
    nw = info.num_cores * info.num_subcores
    b_per_w = (_N * _M) // nw
    mesh = plsc.VectorSubcoreMesh(core_axis_name="c", subcore_axis_name="s")

    @functools.partial(
        pl.kernel, mesh=mesh,
        out_type=jax.ShapeDtypeStruct((_N * _M, _EDP), jnp.float32),
        scratch_types=[
            pltpu.VMEM((b_per_w,), jnp.int32),
            pltpu.VMEM((b_per_w, _EDP), jnp.float32),
            pltpu.SemaphoreType.DMA,
        ],
    )
    def gather(table_hbm, idx_hbm, out_hbm, idx_v, rows_v, sem):
        wid = lax.axis_index("s") * info.num_cores + lax.axis_index("c")
        base = wid * b_per_w
        pltpu.sync_copy(idx_hbm.at[pl.ds(base, b_per_w)], idx_v)
        pltpu.async_copy(table_hbm.at[idx_v], rows_v, sem).wait()
        pltpu.sync_copy(rows_v, out_hbm.at[pl.ds(base, b_per_w)])

    return gather


_sc_gather = None


def kernel(x, codebook):
    global _sc_gather
    if _sc_gather is None:
        _sc_gather = _make_sc_gather()
    shape = x.shape
    xf = x.reshape(_N, _ED)

    cand_idx, cb_pad = pl.pallas_call(
        _topm_kernel,
        out_shape=[jax.ShapeDtypeStruct((_M, _N), jnp.int32),
                   jax.ShapeDtypeStruct((_NE, _EDP), jnp.float32)],
    )(xf, codebook)

    idx_flat = cand_idx.reshape(_N * _M)
    cand = _sc_gather(cb_pad, idx_flat)

    out, loss = pl.pallas_call(
        _rescore_kernel,
        out_shape=[jax.ShapeDtypeStruct((_N, _ED), jnp.float32),
                   jax.ShapeDtypeStruct((1, 1), jnp.float32)],
    )(xf, cand.reshape(_M, _N, _EDP), cand_idx)

    return out.reshape(shape), loss[0, 0]

# --- scband reference (transcript-rebuilt; emitter-appended) ---
"""Pipeline reference for scband-quantizer-42923903156708 (READ-ONLY COPY).

The authoritative reference and input builder live on the scoring server;
editing this copy changes nothing except your own understanding.
"""

import jax, jax.numpy as jnp
import numpy as np

NUM_EMBEDDINGS = 512
EMBEDDINGS_DIM = 64
BETA = 0.25


def setup_inputs(seed: int = 0) -> dict:
    key = jax.random.key(seed)
    kx, kc = jax.random.split(key)
    x = jax.random.normal(kx, (8, 64, 16, 16), dtype=jnp.float32)
    # codebook initialized uniform(-1/K, 1/K) like the torch module
    codebook = jax.random.uniform(
        kc, (NUM_EMBEDDINGS, EMBEDDINGS_DIM), dtype=jnp.float32,
        minval=-1.0 / NUM_EMBEDDINGS, maxval=1.0 / NUM_EMBEDDINGS)
    return {"x": x, "codebook": codebook}


def reference(x, codebook):
    inputs = x
    shape = x.shape
    B, C, H, W = shape
    # torch .view(B, H, W, C).view(-1, D) is a raw row-major reinterpretation,
    # which jnp.reshape reproduces exactly
    xf = x.reshape(B, H, W, C).reshape(-1, EMBEDDINGS_DIM)
    # pairwise squared distances via explicit broadcast, as in the original
    diff2 = (xf[:, None, :] - codebook[None, :, :]) ** 2
    distances = jnp.sum(diff2, axis=2)
    indices = jnp.argmin(distances, axis=1)[:, None]
    quantized = jnp.take(codebook, indices, axis=0).reshape(shape)
    encoder_loss = jnp.mean((jax.lax.stop_gradient(quantized) - inputs) ** 2)
    commitment_loss = jnp.mean((jax.lax.stop_gradient(inputs) - quantized) ** 2)
    embedding_loss = encoder_loss + BETA * commitment_loss
    quantized_st = inputs + jax.lax.stop_gradient(quantized - inputs)
    quantized_st = quantized_st.reshape(shape)
    return (quantized_st, embedding_loss)

if __name__ == "__main__":
    import jax
    _d = setup_inputs()
    print(jax.jit(kernel)(*tuple(_d.values())))

</pallas_src>

<mosaic_0001>
#map = affine_map<(d0, d1) -> (0, 0)>
#map1 = affine_map<(d0, d1) -> (0)>
module attributes {stable_mosaic.version = 14 : i64} {
  func.func @gather(%arg0: i32, %arg1: i32, %arg2: memref<512x128xf32, #tpu.memory_space<hbm>>, %arg3: memref<8192xi32, #tpu.memory_space<hbm>>, %arg4: memref<8192x128xf32, #tpu.memory_space<hbm>>, %arg5: memref<256xi32, #tpu.memory_space<vmem>>, %arg6: memref<256x128xf32, #tpu.memory_space<vmem>>, %arg7: memref<!tpu.dma_semaphore, #tpu.memory_space<semaphore_mem>>) attributes {dimension_semantics = [#tpu.dimension_semantics<core_parallel>, #tpu.dimension_semantics<subcore_parallel>], iteration_bounds = array<i64: 2, 16>, scalar_prefetch = 0 : i64, scratch_operands = 3 : i64, tpu.core_type = #tpu.core_type<sc_vector_subcore>, window_params = [{transform_indices = #map}, {transform_indices = #map1}, {transform_indices = #map}]} {
    %mul3A = arith.constant 2 : i32
    %mul3A_0 = arith.muli %arg1, %mul3A : i32
    %add3A = arith.addi %mul3A_0, %arg0 : i32
    %mul3A_1 = arith.constant 256 : i32
    %mul3A_2 = arith.muli %add3A, %mul3A_1 : i32
    "tpu.region"() ({
      %run_scoped3A = tpu.sem_alloc : memref<!tpu.dma_semaphore, #tpu.memory_space<semaphore_mem>>
      %dma_start3A_7 = tpu.memref_slice %arg3[%mul3A_2] : memref<8192xi32, #tpu.memory_space<hbm>> -> memref<256xi32, #tpu.memory_space<hbm>>
      %dma_start3A_8 = tpu.memref_slice %arg3[%mul3A_2] : memref<8192xi32, #tpu.memory_space<hbm>> -> memref<256xi32, #tpu.memory_space<hbm>>
      tpu.enqueue_dma source(%dma_start3A_8 : memref<256xi32, #tpu.memory_space<hbm>>) target(%arg5 : memref<256xi32, #tpu.memory_space<vmem>>) target_semaphore(%run_scoped3A : memref<!tpu.dma_semaphore, #tpu.memory_space<semaphore_mem>>)
      %dma_wait3A_9 = tpu.memref_slice %arg3[%mul3A_2] : memref<8192xi32, #tpu.memory_space<hbm>> -> memref<256xi32, #tpu.memory_space<hbm>>
      %dma_wait3A_10 = tpu.memref_slice %arg3[%mul3A_2] : memref<8192xi32, #tpu.memory_space<hbm>> -> memref<256xi32, #tpu.memory_space<hbm>>
      tpu.wait_dma2 semaphore(%run_scoped3A : memref<!tpu.dma_semaphore, #tpu.memory_space<semaphore_mem>>) src(%dma_wait3A_10 : memref<256xi32, #tpu.memory_space<hbm>>) dst(%arg5 : memref<256xi32, #tpu.memory_space<vmem>>)
      tpu.yield
    }) : () -> ()
    %dma_start3A = arith.constant 0 : i32
    %dma_start3A_3 = arith.constant 0 : i32
    %dma_start3A_4 = tpu.memref_slice %arg2[%dma_start3A, %dma_start3A_3] : memref<512x128xf32, #tpu.memory_space<hbm>> -> memref<512x128xf32, #tpu.memory_space<hbm>>
    tpu.enqueue_indirect_dma source(%dma_start3A_4 : memref<512x128xf32, #tpu.memory_space<hbm>>) target(%arg6 : memref<256x128xf32, #tpu.memory_space<vmem>>) offsets(%arg5 : memref<256xi32, #tpu.memory_space<vmem>>) semaphore(%arg7 : memref<!tpu.dma_semaphore, #tpu.memory_space<semaphore_mem>>)
    %dma_wait3A = arith.constant 0 : i32
    %dma_wait3A_5 = arith.constant 0 : i32
    %dma_wait3A_6 = tpu.memref_slice %arg2[%dma_wait3A, %dma_wait3A_5] : memref<512x128xf32, #tpu.memory_space<hbm>> -> memref<512x128xf32, #tpu.memory_space<hbm>>
    tpu.wait_indirect_dma semaphore(%arg7 : memref<!tpu.dma_semaphore, #tpu.memory_space<semaphore_mem>>) src(%dma_wait3A_6 : memref<512x128xf32, #tpu.memory_space<hbm>>) dst(%arg6 : memref<256x128xf32, #tpu.memory_space<vmem>>)
    "tpu.region"() ({
      %run_scoped3A = tpu.sem_alloc : memref<!tpu.dma_semaphore, #tpu.memory_space<semaphore_mem>>
      %dma_start3A_7 = arith.constant 0 : i32
      %dma_start3A_8 = tpu.memref_slice %arg4[%mul3A_2, %dma_start3A_7] : memref<8192x128xf32, #tpu.memory_space<hbm>> -> memref<256x128xf32, #tpu.memory_space<hbm>>
      %dma_start3A_9 = arith.constant 0 : i32
      %dma_start3A_10 = tpu.memref_slice %arg4[%mul3A_2, %dma_start3A_9] : memref<8192x128xf32, #tpu.memory_space<hbm>> -> memref<256x128xf32, #tpu.memory_space<hbm>>
      tpu.enqueue_dma source(%arg6 : memref<256x128xf32, #tpu.memory_space<vmem>>) target(%dma_start3A_10 : memref<256x128xf32, #tpu.memory_space<hbm>>) target_semaphore(%run_scoped3A : memref<!tpu.dma_semaphore, #tpu.memory_space<semaphore_mem>>)
      %dma_wait3A_11 = arith.constant 0 : i32
      %dma_wait3A_12 = tpu.memref_slice %arg4[%mul3A_2, %dma_wait3A_11] : memref<8192x128xf32, #tpu.memory_space<hbm>> -> memref<256x128xf32, #tpu.memory_space<hbm>>
      %dma_wait3A_13 = arith.constant 0 : i32
      %dma_wait3A_14 = tpu.memref_slice %arg4[%mul3A_2, %dma_wait3A_13] : memref<8192x128xf32, #tpu.memory_space<hbm>> -> memref<256x128xf32, #tpu.memory_space<hbm>>
      tpu.wait_dma2 semaphore(%run_scoped3A : memref<!tpu.dma_semaphore, #tpu.memory_space<semaphore_mem>>) src(%arg6 : memref<256x128xf32, #tpu.memory_space<vmem>>) dst(%dma_wait3A_14 : memref<256x128xf32, #tpu.memory_space<hbm>>)
      tpu.yield
    }) : () -> ()
    return
  }
}

module attributes {stable_mosaic.version = 14 : i64} {
  func.func @_topm_kernel(%arg0: memref<2048x64xf32, #tpu.memory_space<vmem>>, %arg1: memref<512x64xf32, #tpu.memory_space<vmem>>, %arg2: memref<4x2048xi32, #tpu.memory_space<vmem>>, %arg3: memref<512x128xf32, #tpu.memory_space<vmem>>) attributes {dimension_semantics = [], scalar_prefetch = 0 : i64, scratch_operands = 0 : i64, tpu.core_type = #tpu.core_type<tc>} {
    %get3A = arith.constant 0 : index
    %get3A_0 = arith.constant 0 : index
    %get3A_1 = vector.load %arg0[%get3A, %get3A_0] : memref<2048x64xf32, #tpu.memory_space<vmem>>, vector<2048x64xf32>
    %get3A_2 = arith.constant 0 : index
    %get3A_3 = arith.constant 0 : index
    %get3A_4 = vector.load %arg1[%get3A_2, %get3A_3] : memref<512x64xf32, #tpu.memory_space<vmem>>, vector<512x64xf32>
    %transpose3A = tpu.transpose %get3A_1, [1, 0] : vector<2048x64xf32> -> vector<64x2048xf32>
    %dot_general3A = arith.constant dense<0.000000e+00> : vector<512x2048xf32>
    %dot_general3A_5 = tpu.matmul %get3A_4, %transpose3A, %dot_general3A {dimension_numbers = #tpu.dot_dimension_numbers<[1], [0], [0], [1], [0, 0, 1, 1], [], []>, precision = #tpu.contract_precision<fp32>, transpose_lhs_hint = false} : vector<512x64xf32>, vector<64x2048xf32>, vector<512x2048xf32> -> vector<512x2048xf32>
    %mul3A = arith.mulf %get3A_4, %get3A_4 : vector<512x64xf32>
    %reduce_sum3A = arith.constant dense<0.000000e+00> : vector<512xf32>
    %reduce_sum3A_6 = vector.multi_reduction <add>, %mul3A, %reduce_sum3A [1] : vector<512x64xf32> to vector<512xf32>
    %broadcast_in_dim3A = vector.shape_cast %reduce_sum3A_6 : vector<512xf32> to vector<512x1xf32>
    %add3A = arith.addf %dot_general3A_5, %dot_general3A_5 : vector<512x2048xf32>
    %sub3A = vector.broadcast %broadcast_in_dim3A : vector<512x1xf32> to vector<512x2048xf32>
    %sub3A_7 = arith.subf %sub3A, %add3A : vector<512x2048xf32>
    %iota3A = tpu.iota {dimensions = array<i32: 0>} : vector<512x2048xi32>
    %reduce_min3A = arith.constant dense<0x7F800000> : vector<2048xf32>
    %reduce_min3A_8 = vector.multi_reduction <minimumf>, %sub3A_7, %reduce_min3A [0] : vector<512x2048xf32> to vector<2048xf32>
    %broadcast_in_dim3A_9 = vector.shape_cast %reduce_min3A_8 : vector<2048xf32> to vector<1x2048xf32>
    %eq3A = vector.broadcast %broadcast_in_dim3A_9 : vector<1x2048xf32> to vector<512x2048xf32>
    %eq3A_10 = arith.cmpf oeq, %sub3A_7, %eq3A : vector<512x2048xf32>
    %jit3A = arith.constant 512 : i32
    %broadcast_in_dim3A_11 = vector.broadcast %jit3A : i32 to vector<512x2048xi32>
    %select_n3A = arith.select %eq3A_10, %iota3A, %broadcast_in_dim3A_11 : vector<512x2048xi1>, vector<512x2048xi32>
    %reduce_min3A_12 = arith.constant dense<2147483647> : vector<2048xi32>
    %reduce_min3A_13 = vector.multi_reduction <minsi>, %select_n3A, %reduce_min3A_12 [0] : vector<512x2048xi32> to vector<2048xi32>
    %broadcast_in_dim3A_14 = vector.shape_cast %reduce_min3A_13 : vector<2048xi32> to vector<1x2048xi32>
    %eq3A_15 = vector.broadcast %broadcast_in_dim3A_14 : vector<1x2048xi32> to vector<512x2048xi32>
    %eq3A_16 = arith.cmpi eq, %iota3A, %eq3A_15 : vector<512x2048xi32>
    %jit3A_17 = arith.constant 0x7F800000 : f32
    %broadcast_in_dim3A_18 = vector.broadcast %jit3A_17 : f32 to vector<512x2048xf32>
    %select_n3A_19 = arith.select %eq3A_16, %broadcast_in_dim3A_18, %sub3A_7 : vector<512x2048xi1>, vector<512x2048xf32>
    %reduce_min3A_20 = arith.constant dense<0x7F800000> : vector<2048xf32>
    %reduce_min3A_21 = vector.multi_reduction <minimumf>, %select_n3A_19, %reduce_min3A_20 [0] : vector<512x2048xf32> to vector<2048xf32>
    %broadcast_in_dim3A_22 = vector.shape_cast %reduce_min3A_21 : vector<2048xf32> to vector<1x2048xf32>
    %eq3A_23 = vector.broadcast %broadcast_in_dim3A_22 : vector<1x2048xf32> to vector<512x2048xf32>
    %eq3A_24 = arith.cmpf oeq, %select_n3A_19, %eq3A_23 : vector<512x2048xf32>
    %jit3A_25 = arith.constant 512 : i32
    %broadcast_in_dim3A_26 = vector.broadcast %jit3A_25 : i32 to vector<512x2048xi32>
    %select_n3A_27 = arith.select %eq3A_24, %iota3A, %broadcast_in_dim3A_26 : vector<512x2048xi1>, vector<512x2048xi32>
    %reduce_min3A_28 = arith.constant dense<2147483647> : vector<2048xi32>
    %reduce_min3A_29 = vector.multi_reduction <minsi>, %select_n3A_27, %reduce_min3A_28 [0] : vector<512x2048xi32> to vector<2048xi32>
    %broadcast_in_dim3A_30 = vector.shape_cast %reduce_min3A_29 : vector<2048xi32> to vector<1x2048xi32>
    %eq3A_31 = vector.broadcast %broadcast_in_dim3A_30 : vector<1x2048xi32> to vector<512x2048xi32>
    %eq3A_32 = arith.cmpi eq, %iota3A, %eq3A_31 : vector<512x2048xi32>
    %jit3A_33 = arith.constant 0x7F800000 : f32
    %broadcast_in_dim3A_34 = vector.broadcast %jit3A_33 : f32 to vector<512x2048xf32>
    %select_n3A_35 = arith.select %eq3A_32, %broadcast_in_dim3A_34, %select_n3A_19 : vector<512x2048xi1>, vector<512x2048xf32>
    %reduce_min3A_36 = arith.constant dense<0x7F800000> : vector<2048xf32>
    %reduce_min3A_37 = vector.multi_reduction <minimumf>, %select_n3A_35, %reduce_min3A_36 [0] : vector<512x2048xf32> to vector<2048xf32>
    %broadcast_in_dim3A_38 = vector.shape_cast %reduce_min3A_37 : vector<2048xf32> to vector<1x2048xf32>
    %eq3A_39 = vector.broadcast %broadcast_in_dim3A_38 : vector<1x2048xf32> to vector<512x2048xf32>
    %eq3A_40 = arith.cmpf oeq, %select_n3A_35, %eq3A_39 : vector<512x2048xf32>
    %jit3A_41 = arith.constant 512 : i32
    %broadcast_in_dim3A_42 = vector.broadcast %jit3A_41 : i32 to vector<512x2048xi32>
    %select_n3A_43 = arith.select %eq3A_40, %iota3A, %broadcast_in_dim3A_42 : vector<512x2048xi1>, vector<512x2048xi32>
    %reduce_min3A_44 = arith.constant dense<2147483647> : vector<2048xi32>
    %reduce_min3A_45 = vector.multi_reduction <minsi>, %select_n3A_43, %reduce_min3A_44 [0] : vector<512x2048xi32> to vector<2048xi32>
    %broadcast_in_dim3A_46 = vector.shape_cast %reduce_min3A_45 : vector<2048xi32> to vector<1x2048xi32>
    %eq3A_47 = vector.broadcast %broadcast_in_dim3A_46 : vector<1x2048xi32> to vector<512x2048xi32>
    %eq3A_48 = arith.cmpi eq, %iota3A, %eq3A_47 : vector<512x2048xi32>
    %jit3A_49 = arith.constant 0x7F800000 : f32
    %broadcast_in_dim3A_50 = vector.broadcast %jit3A_49 : f32 to vector<512x2048xf32>
    %select_n3A_51 = arith.select %eq3A_48, %broadcast_in_dim3A_50, %select_n3A_35 : vector<512x2048xi1>, vector<512x2048xf32>
    %reduce_min3A_52 = arith.constant dense<0x7F800000> : vector<2048xf32>
    %reduce_min3A_53 = vector.multi_reduction <minimumf>, %select_n3A_51, %reduce_min3A_52 [0] : vector<512x2048xf32> to vector<2048xf32>
    %broadcast_in_dim3A_54 = vector.shape_cast %reduce_min3A_53 : vector<2048xf32> to vector<1x2048xf32>
    %eq3A_55 = vector.broadcast %broadcast_in_dim3A_54 : vector<1x2048xf32> to vector<512x2048xf32>
    %eq3A_56 = arith.cmpf oeq, %select_n3A_51, %eq3A_55 : vector<512x2048xf32>
    %jit3A_57 = arith.constant 512 : i32
    %broadcast_in_dim3A_58 = vector.broadcast %jit3A_57 : i32 to vector<512x2048xi32>
    %select_n3A_59 = arith.select %eq3A_56, %iota3A, %broadcast_in_dim3A_58 : vector<512x2048xi1>, vector<512x2048xi32>
    %reduce_min3A_60 = arith.constant dense<2147483647> : vector<2048xi32>
    %reduce_min3A_61 = vector.multi_reduction <minsi>, %select_n3A_59, %reduce_min3A_60 [0] : vector<512x2048xi32> to vector<2048xi32>
    %broadcast_in_dim3A_62 = vector.shape_cast %reduce_min3A_61 : vector<2048xi32> to vector<1x2048xi32>
    %concatenate3A = tpu.concatenate %broadcast_in_dim3A_14, %broadcast_in_dim3A_30, %broadcast_in_dim3A_46, %broadcast_in_dim3A_62 in 0 : vector<1x2048xi32>, vector<1x2048xi32>, vector<1x2048xi32>, vector<1x2048xi32> -> vector<4x2048xi32>
    %swap3A = arith.constant 0 : index
    %swap3A_63 = arith.constant 0 : index
    %swap3A_64 = vector.load %arg2[%swap3A, %swap3A_63] : memref<4x2048xi32, #tpu.memory_space<vmem>>, vector<4x2048xi32>
    tpu.vector_store %arg2[%swap3A, %swap3A_63], %concatenate3A {strides = array<i32>} : memref<4x2048xi32, #tpu.memory_space<vmem>>, vector<4x2048xi32>,
    %broadcast_in_dim3A_65 = arith.constant 0.000000e+00 : f32
    %broadcast_in_dim3A_66 = vector.broadcast %broadcast_in_dim3A_65 : f32 to vector<512x64xf32>
    %concatenate3A_67 = tpu.concatenate %get3A_4, %broadcast_in_dim3A_66 in 1 : vector<512x64xf32>, vector<512x64xf32> -> vector<512x128xf32>
    %swap3A_68 = arith.constant 0 : index
    %swap3A_69 = arith.constant 0 : index
    %swap3A_70 = vector.load %arg3[%swap3A_68, %swap3A_69] : memref<512x128xf32, #tpu.memory_space<vmem>>, vector<512x128xf32>
    tpu.vector_store %arg3[%swap3A_68, %swap3A_69], %concatenate3A_67 {strides = array<i32>} : memref<512x128xf32, #tpu.memory_space<vmem>>, vector<512x128xf32>,
    return
  }
}

module attributes {stable_mosaic.version = 14 : i64} {
  func.func @_rescore_kernel(%arg0: memref<2048x64xf32, #tpu.memory_space<vmem>>, %arg1: memref<4x2048x128xf32, #tpu.memory_space<vmem>>, %arg2: memref<4x2048xi32, #tpu.memory_space<vmem>>, %arg3: memref<2048x64xf32, #tpu.memory_space<vmem>>, %arg4: memref<1x1xf32, #tpu.memory_space<vmem>>) attributes {dimension_semantics = [], scalar_prefetch = 0 : i64, scratch_operands = 0 : i64, tpu.core_type = #tpu.core_type<tc>} {
    %get3A = arith.constant 0 : index
    %get3A_0 = arith.constant 0 : index
    %get3A_1 = vector.load %arg0[%get3A, %get3A_0] : memref<2048x64xf32, #tpu.memory_space<vmem>>, vector<2048x64xf32>
    %transpose3A = tpu.transpose %get3A_1, [1, 0] : vector<2048x64xf32> -> vector<64x2048xf32>
    %get3A_2 = arith.constant 0 : index
    %get3A_3 = arith.constant 0 : index
    %get3A_4 = arith.constant 0 : index
    %get3A_5 = vector.load %arg1[%get3A_2, %get3A_3, %get3A_4] : memref<4x2048x128xf32, #tpu.memory_space<vmem>>, vector<1x2048x128xf32>
    %get3A_6 = vector.shape_cast %get3A_5 : vector<1x2048x128xf32> to vector<2048x128xf32>
    %slice3A = vector.extract_strided_slice %get3A_6 {offsets = [0, 0], sizes = [2048, 64], strides = [1, 1]} : vector<2048x128xf32> to vector<2048x64xf32>
    %transpose3A_7 = tpu.transpose %slice3A, [1, 0] : vector<2048x64xf32> -> vector<64x2048xf32>
    %sub3A = arith.subf %transpose3A, %transpose3A_7 : vector<64x2048xf32>
    %mul3A = arith.mulf %sub3A, %sub3A : vector<64x2048xf32>
    %slice3A_8 = vector.extract_strided_slice %mul3A {offsets = [0, 0], sizes = [8, 2048], strides = [1, 1]} : vector<64x2048xf32> to vector<8x2048xf32>
    %slice3A_9 = vector.extract_strided_slice %slice3A_8 {offsets = [0, 0], sizes = [4, 2048], strides = [1, 1]} : vector<8x2048xf32> to vector<4x2048xf32>
    %slice3A_10 = vector.extract_strided_slice %slice3A_8 {offsets = [4, 0], sizes = [4, 2048], strides = [1, 1]} : vector<8x2048xf32> to vector<4x2048xf32>
    %add3A = arith.addf %slice3A_9, %slice3A_10 : vector<4x2048xf32>
    %slice3A_11 = vector.extract_strided_slice %add3A {offsets = [0, 0], sizes = [2, 2048], strides = [1, 1]} : vector<4x2048xf32> to vector<2x2048xf32>
    %slice3A_12 = vector.extract_strided_slice %add3A {offsets = [2, 0], sizes = [2, 2048], strides = [1, 1]} : vector<4x2048xf32> to vector<2x2048xf32>
    %add3A_13 = arith.addf %slice3A_11, %slice3A_12 : vector<2x2048xf32>
    %slice3A_14 = vector.extract_strided_slice %add3A_13 {offsets = [0, 0], sizes = [1, 2048], strides = [1, 1]} : vector<2x2048xf32> to vector<1x2048xf32>
    %slice3A_15 = vector.extract_strided_slice %add3A_13 {offsets = [1, 0], sizes = [1, 2048], strides = [1, 1]} : vector<2x2048xf32> to vector<1x2048xf32>
    %add3A_16 = arith.addf %slice3A_14, %slice3A_15 : vector<1x2048xf32>
    %slice3A_17 = vector.extract_strided_slice %mul3A {offsets = [8, 0], sizes = [8, 2048], strides = [1, 1]} : vector<64x2048xf32> to vector<8x2048xf32>
    %slice3A_18 = vector.extract_strided_slice %slice3A_17 {offsets = [0, 0], sizes = [4, 2048], strides = [1, 1]} : vector<8x2048xf32> to vector<4x2048xf32>
    %slice3A_19 = vector.extract_strided_slice %slice3A_17 {offsets = [4, 0], sizes = [4, 2048], strides = [1, 1]} : vector<8x2048xf32> to vector<4x2048xf32>
    %add3A_20 = arith.addf %slice3A_18, %slice3A_19 : vector<4x2048xf32>
    %slice3A_21 = vector.extract_strided_slice %add3A_20 {offsets = [0, 0], sizes = [2, 2048], strides = [1, 1]} : vector<4x2048xf32> to vector<2x2048xf32>
    %slice3A_22 = vector.extract_strided_slice %add3A_20 {offsets = [2, 0], sizes = [2, 2048], strides = [1, 1]} : vector<4x2048xf32> to vector<2x2048xf32>
    %add3A_23 = arith.addf %slice3A_21, %slice3A_22 : vector<2x2048xf32>
    %slice3A_24 = vector.extract_strided_slice %add3A_23 {offsets = [0, 0], sizes = [1, 2048], strides = [1, 1]} : vector<2x2048xf32> to vector<1x2048xf32>
    %slice3A_25 = vector.extract_strided_slice %add3A_23 {offsets = [1, 0], sizes = [1, 2048], strides = [1, 1]} : vector<2x2048xf32> to vector<1x2048xf32>
    %add3A_26 = arith.addf %slice3A_24, %slice3A_25 : vector<1x2048xf32>
    %add3A_27 = arith.addf %add3A_16, %add3A_26 : vector<1x2048xf32>
    %slice3A_28 = vector.extract_strided_slice %mul3A {offsets = [16, 0], sizes = [8, 2048], strides = [1, 1]} : vector<64x2048xf32> to vector<8x2048xf32>
    %slice3A_29 = vector.extract_strided_slice %slice3A_28 {offsets = [0, 0], sizes = [4, 2048], strides = [1, 1]} : vector<8x2048xf32> to vector<4x2048xf32>
    %slice3A_30 = vector.extract_strided_slice %slice3A_28 {offsets = [4, 0], sizes = [4, 2048], strides = [1, 1]} : vector<8x2048xf32> to vector<4x2048xf32>
    %add3A_31 = arith.addf %slice3A_29, %slice3A_30 : vector<4x2048xf32>
    %slice3A_32 = vector.extract_strided_slice %add3A_31 {offsets = [0, 0], sizes = [2, 2048], strides = [1, 1]} : vector<4x2048xf32> to vector<2x2048xf32>
    %slice3A_33 = vector.extract_strided_slice %add3A_31 {offsets = [2, 0], sizes = [2, 2048], strides = [1, 1]} : vector<4x2048xf32> to vector<2x2048xf32>
    %add3A_34 = arith.addf %slice3A_32, %slice3A_33 : vector<2x2048xf32>
    %slice3A_35 = vector.extract_strided_slice %add3A_34 {offsets = [0, 0], sizes = [1, 2048], strides = [1, 1]} : vector<2x2048xf32> to vector<1x2048xf32>
    %slice3A_36 = vector.extract_strided_slice %add3A_34 {offsets = [1, 0], sizes = [1, 2048], strides = [1, 1]} : vector<2x2048xf32> to vector<1x2048xf32>
    %add3A_37 = arith.addf %slice3A_35, %slice3A_36 : vector<1x2048xf32>
    %add3A_38 = arith.addf %add3A_27, %add3A_37 : vector<1x2048xf32>
    %slice3A_39 = vector.extract_strided_slice %mul3A {offsets = [24, 0], sizes = [8, 2048], strides = [1, 1]} : vector<64x2048xf32> to vector<8x2048xf32>
    %slice3A_40 = vector.extract_strided_slice %slice3A_39 {offsets = [0, 0], sizes = [4, 2048], strides = [1, 1]} : vector<8x2048xf32> to vector<4x2048xf32>
    %slice3A_41 = vector.extract_strided_slice %slice3A_39 {offsets = [4, 0], sizes = [4, 2048], strides = [1, 1]} : vector<8x2048xf32> to vector<4x2048xf32>
    %add3A_42 = arith.addf %slice3A_40, %slice3A_41 : vector<4x2048xf32>
    %slice3A_43 = vector.extract_strided_slice %add3A_42 {offsets = [0, 0], sizes = [2, 2048], strides = [1, 1]} : vector<4x2048xf32> to vector<2x2048xf32>
    %slice3A_44 = vector.extract_strided_slice %add3A_42 {offsets = [2, 0], sizes = [2, 2048], strides = [1, 1]} : vector<4x2048xf32> to vector<2x2048xf32>
    %add3A_45 = arith.addf %slice3A_43, %slice3A_44 : vector<2x2048xf32>
    %slice3A_46 = vector.extract_strided_slice %add3A_45 {offsets = [0, 0], sizes = [1, 2048], strides = [1, 1]} : vector<2x2048xf32> to vector<1x2048xf32>
    %slice3A_47 = vector.extract_strided_slice %add3A_45 {offsets = [1, 0], sizes = [1, 2048], strides = [1, 1]} : vector<2x2048xf32> to vector<1x2048xf32>
    %add3A_48 = arith.addf %slice3A_46, %slice3A_47 : vector<1x2048xf32>
    %add3A_49 = arith.addf %add3A_38, %add3A_48 : vector<1x2048xf32>
    %slice3A_50 = vector.extract_strided_slice %mul3A {offsets = [32, 0], sizes = [8, 2048], strides = [1, 1]} : vector<64x2048xf32> to vector<8x2048xf32>
    %slice3A_51 = vector.extract_strided_slice %slice3A_50 {offsets = [0, 0], sizes = [4, 2048], strides = [1, 1]} : vector<8x2048xf32> to vector<4x2048xf32>
    %slice3A_52 = vector.extract_strided_slice %slice3A_50 {offsets = [4, 0], sizes = [4, 2048], strides = [1, 1]} : vector<8x2048xf32> to vector<4x2048xf32>
    %add3A_53 = arith.addf %slice3A_51, %slice3A_52 : vector<4x2048xf32>
    %slice3A_54 = vector.extract_strided_slice %add3A_53 {offsets = [0, 0], sizes = [2, 2048], strides = [1, 1]} : vector<4x2048xf32> to vector<2x2048xf32>
    %slice3A_55 = vector.extract_strided_slice %add3A_53 {offsets = [2, 0], sizes = [2, 2048], strides = [1, 1]} : vector<4x2048xf32> to vector<2x2048xf32>
    %add3A_56 = arith.addf %slice3A_54, %slice3A_55 : vector<2x2048xf32>
    %slice3A_57 = vector.extract_strided_slice %add3A_56 {offsets = [0, 0], sizes = [1, 2048], strides = [1, 1]} : vector<2x2048xf32> to vector<1x2048xf32>
    %slice3A_58 = vector.extract_strided_slice %add3A_56 {offsets = [1, 0], sizes = [1, 2048], strides = [1, 1]} : vector<2x2048xf32> to vector<1x2048xf32>
    %add3A_59 = arith.addf %slice3A_57, %slice3A_58 : vector<1x2048xf32>
    %add3A_60 = arith.addf %add3A_49, %add3A_59 : vector<1x2048xf32>
    %slice3A_61 = vector.extract_strided_slice %mul3A {offsets = [40, 0], sizes = [8, 2048], strides = [1, 1]} : vector<64x2048xf32> to vector<8x2048xf32>
    %slice3A_62 = vector.extract_strided_slice %slice3A_61 {offsets = [0, 0], sizes = [4, 2048], strides = [1, 1]} : vector<8x2048xf32> to vector<4x2048xf32>
    %slice3A_63 = vector.extract_strided_slice %slice3A_61 {offsets = [4, 0], sizes = [4, 2048], strides = [1, 1]} : vector<8x2048xf32> to vector<4x2048xf32>
    %add3A_64 = arith.addf %slice3A_62, %slice3A_63 : vector<4x2048xf32>
    %slice3A_65 = vector.extract_strided_slice %add3A_64 {offsets = [0, 0], sizes = [2, 2048], strides = [1, 1]} : vector<4x2048xf32> to vector<2x2048xf32>
    %slice3A_66 = vector.extract_strided_slice %add3A_64 {offsets = [2, 0], sizes = [2, 2048], strides = [1, 1]} : vector<4x2048xf32> to vector<2x2048xf32>
    %add3A_67 = arith.addf %slice3A_65, %slice3A_66 : vector<2x2048xf32>
    %slice3A_68 = vector.extract_strided_slice %add3A_67 {offsets = [0, 0], sizes = [1, 2048], strides = [1, 1]} : vector<2x2048xf32> to vector<1x2048xf32>
    %slice3A_69 = vector.extract_strided_slice %add3A_67 {offsets = [1, 0], sizes = [1, 2048], strides = [1, 1]} : vector<2x2048xf32> to vector<1x2048xf32>
    %add3A_70 = arith.addf %slice3A_68, %slice3A_69 : vector<1x2048xf32>
    %add3A_71 = arith.addf %add3A_60, %add3A_70 : vector<1x2048xf32>
    %slice3A_72 = vector.extract_strided_slice %mul3A {offsets = [48, 0], sizes = [8, 2048], strides = [1, 1]} : vector<64x2048xf32> to vector<8x2048xf32>
    %slice3A_73 = vector.extract_strided_slice %slice3A_72 {offsets = [0, 0], sizes = [4, 2048], strides = [1, 1]} : vector<8x2048xf32> to vector<4x2048xf32>
    %slice3A_74 = vector.extract_strided_slice %slice3A_72 {offsets = [4, 0], sizes = [4, 2048], strides = [1, 1]} : vector<8x2048xf32> to vector<4x2048xf32>
    %add3A_75 = arith.addf %slice3A_73, %slice3A_74 : vector<4x2048xf32>
    %slice3A_76 = vector.extract_strided_slice %add3A_75 {offsets = [0, 0], sizes = [2, 2048], strides = [1, 1]} : vector<4x2048xf32> to vector<2x2048xf32>
    %slice3A_77 = vector.extract_strided_slice %add3A_75 {offsets = [2, 0], sizes = [2, 2048], strides = [1, 1]} : vector<4x2048xf32> to vector<2x2048xf32>
    %add3A_78 = arith.addf %slice3A_76, %slice3A_77 : vector<2x2048xf32>
    %slice3A_79 = vector.extract_strided_slice %add3A_78 {offsets = [0, 0], sizes = [1, 2048], strides = [1, 1]} : vector<2x2048xf32> to vector<1x2048xf32>
    %slice3A_80 = vector.extract_strided_slice %add3A_78 {offsets = [1, 0], sizes = [1, 2048], strides = [1, 1]} : vector<2x2048xf32> to vector<1x2048xf32>
    %add3A_81 = arith.addf %slice3A_79, %slice3A_80 : vector<1x2048xf32>
    %add3A_82 = arith.addf %add3A_71, %add3A_81 : vector<1x2048xf32>
    %slice3A_83 = vector.extract_strided_slice %mul3A {offsets = [56, 0], sizes = [8, 2048], strides = [1, 1]} : vector<64x2048xf32> to vector<8x2048xf32>
    %slice3A_84 = vector.extract_strided_slice %slice3A_83 {offsets = [0, 0], sizes = [4, 2048], strides = [1, 1]} : vector<8x2048xf32> to vector<4x2048xf32>
    %slice3A_85 = vector.extract_strided_slice %slice3A_83 {offsets = [4, 0], sizes = [4, 2048], strides = [1, 1]} : vector<8x2048xf32> to vector<4x2048xf32>
    %add3A_86 = arith.addf %slice3A_84, %slice3A_85 : vector<4x2048xf32>
    %slice3A_87 = vector.extract_strided_slice %add3A_86 {offsets = [0, 0], sizes = [2, 2048], strides = [1, 1]} : vector<4x2048xf32> to vector<2x2048xf32>
    %slice3A_88 = vector.extract_strided_slice %add3A_86 {offsets = [2, 0], sizes = [2, 2048], strides = [1, 1]} : vector<4x2048xf32> to vector<2x2048xf32>
    %add3A_89 = arith.addf %slice3A_87, %slice3A_88 : vector<2x2048xf32>
    %slice3A_90 = vector.extract_strided_slice %add3A_89 {offsets = [0, 0], sizes = [1, 2048], strides = [1, 1]} : vector<2x2048xf32> to vector<1x2048xf32>
    %slice3A_91 = vector.extract_strided_slice %add3A_89 {offsets = [1, 0], sizes = [1, 2048], strides = [1, 1]} : vector<2x2048xf32> to vector<1x2048xf32>
    %add3A_92 = arith.addf %slice3A_90, %slice3A_91 : vector<1x2048xf32>
    %add3A_93 = arith.addf %add3A_82, %add3A_92 : vector<1x2048xf32>
    %get3A_94 = arith.constant 1 : index
    %get3A_95 = arith.constant 0 : index
    %get3A_96 = arith.constant 0 : index
    %get3A_97 = vector.load %arg1[%get3A_94, %get3A_95, %get3A_96] : memref<4x2048x128xf32, #tpu.memory_space<vmem>>, vector<1x2048x128xf32>
    %get3A_98 = vector.shape_cast %get3A_97 : vector<1x2048x128xf32> to vector<2048x128xf32>
    %slice3A_99 = vector.extract_strided_slice %get3A_98 {offsets = [0, 0], sizes = [2048, 64], strides = [1, 1]} : vector<2048x128xf32> to vector<2048x64xf32>
    %transpose3A_100 = tpu.transpose %slice3A_99, [1, 0] : vector<2048x64xf32> -> vector<64x2048xf32>
    %sub3A_101 = arith.subf %transpose3A, %transpose3A_100 : vector<64x2048xf32>
    %mul3A_102 = arith.mulf %sub3A_101, %sub3A_101 : vector<64x2048xf32>
    %slice3A_103 = vector.extract_strided_slice %mul3A_102 {offsets = [0, 0], sizes = [8, 2048], strides = [1, 1]} : vector<64x2048xf32> to vector<8x2048xf32>
    %slice3A_104 = vector.extract_strided_slice %slice3A_103 {offsets = [0, 0], sizes = [4, 2048], strides = [1, 1]} : vector<8x2048xf32> to vector<4x2048xf32>
    %slice3A_105 = vector.extract_strided_slice %slice3A_103 {offsets = [4, 0], sizes = [4, 2048], strides = [1, 1]} : vector<8x2048xf32> to vector<4x2048xf32>
    %add3A_106 = arith.addf %slice3A_104, %slice3A_105 : vector<4x2048xf32>
    %slice3A_107 = vector.extract_strided_slice %add3A_106 {offsets = [0, 0], sizes = [2, 2048], strides = [1, 1]} : vector<4x2048xf32> to vector<2x2048xf32>
    %slice3A_108 = vector.extract_strided_slice %add3A_106 {offsets = [2, 0], sizes = [2, 2048], strides = [1, 1]} : vector<4x2048xf32> to vector<2x2048xf32>
    %add3A_109 = arith.addf %slice3A_107, %slice3A_108 : vector<2x2048xf32>
    %slice3A_110 = vector.extract_strided_slice %add3A_109 {offsets = [0, 0], sizes = [1, 2048], strides = [1, 1]} : vector<2x2048xf32> to vector<1x2048xf32>
    %slice3A_111 = vector.extract_strided_slice %add3A_109 {offsets = [1, 0], sizes = [1, 2048], strides = [1, 1]} : vector<2x2048xf32> to vector<1x2048xf32>
    %add3A_112 = arith.addf %slice3A_110, %slice3A_111 : vector<1x2048xf32>
    %slice3A_113 = vector.extract_strided_slice %mul3A_102 {offsets = [8, 0], sizes = [8, 2048], strides = [1, 1]} : vector<64x2048xf32> to vector<8x2048xf32>
    %slice3A_114 = vector.extract_strided_slice %slice3A_113 {offsets = [0, 0], sizes = [4, 2048], strides = [1, 1]} : vector<8x2048xf32> to vector<4x2048xf32>
    %slice3A_115 = vector.extract_strided_slice %slice3A_113 {offsets = [4, 0], sizes = [4, 2048], strides = [1, 1]} : vector<8x2048xf32> to vector<4x2048xf32>
    %add3A_116 = arith.addf %slice3A_114, %slice3A_115 : vector<4x2048xf32>
    %slice3A_117 = vector.extract_strided_slice %add3A_116 {offsets = [0, 0], sizes = [2, 2048], strides = [1, 1]} : vector<4x2048xf32> to vector<2x2048xf32>
    %slice3A_118 = vector.extract_strided_slice %add3A_116 {offsets = [2, 0], sizes = [2, 2048], strides = [1, 1]} : vector<4x2048xf32> to vector<2x2048xf32>
    %add3A_119 = arith.addf %slice3A_117, %slice3A_118 : vector<2x2048xf32>
    %slice3A_120 = vector.extract_strided_slice %add3A_119 {offsets = [0, 0], sizes = [1, 2048], strides = [1, 1]} : vector<2x2048xf32> to vector<1x2048xf32>
    %slice3A_121 = vector.extract_strided_slice %add3A_119 {offsets = [1, 0], sizes = [1, 2048], strides = [1, 1]} : vector<2x2048xf32> to vector<1x2048xf32>
    %add3A_122 = arith.addf %slice3A_120, %slice3A_121 : vector<1x2048xf32>
    %add3A_123 = arith.addf %add3A_112, %add3A_122 : vector<1x2048xf32>
    %slice3A_124 = vector.extract_strided_slice %mul3A_102 {offsets = [16, 0], sizes = [8, 2048], strides = [1, 1]} : vector<64x2048xf32> to vector<8x2048xf32>
    %slice3A_125 = vector.extract_strided_slice %slice3A_124 {offsets = [0, 0], sizes = [4, 2048], strides = [1, 1]} : vector<8x2048xf32> to vector<4x2048xf32>
    %slice3A_126 = vector.extract_strided_slice %slice3A_124 {offsets = [4, 0], sizes = [4, 2048], strides = [1, 1]} : vector<8x2048xf32> to vector<4x2048xf32>
    %add3A_127 = arith.addf %slice3A_125, %slice3A_126 : vector<4x2048xf32>
    %slice3A_128 = vector.extract_strided_slice %add3A_127 {offsets = [0, 0], sizes = [2, 2048], strides = [1, 1]} : vector<4x2048xf32> to vector<2x2048xf32>
    %slice3A_129 = vector.extract_strided_slice %add3A_127 {offsets = [2, 0], sizes = [2, 2048], strides = [1, 1]} : vector<4x2048xf32> to vector<2x2048xf32>
    %add3A_130 = arith.addf %slice3A_128, %slice3A_129 : vector<2x2048xf32>
    %slice3A_131 = vector.extract_strided_slice %add3A_130 {offsets = [0, 0], sizes = [1, 2048], strides = [1, 1]} : vector<2x2048xf32> to vector<1x2048xf32>
    %slice3A_132 = vector.extract_strided_slice %add3A_130 {offsets = [1, 0], sizes = [1, 2048], strides = [1, 1]} : vector<2x2048xf32> to vector<1x2048xf32>
    %add3A_133 = arith.addf %slice3A_131, %slice3A_132 : vector<1x2048xf32>
    %add3A_134 = arith.addf %add3A_123, %add3A_133 : vector<1x2048xf32>
    %slice3A_135 = vector.extract_strided_slice %mul3A_102 {offsets = [24, 0], sizes = [8, 2048], strides = [1, 1]} : vector<64x2048xf32> to vector<8x2048xf32>
    %slice3A_136 = vector.extract_strided_slice %slice3A_135 {offsets = [0, 0], sizes = [4, 2048], strides = [1, 1]} : vector<8x2048xf32> to vector<4x2048xf32>
    %slice3A_137 = vector.extract_strided_slice %slice3A_135 {offsets = [4, 0], sizes = [4, 2048], strides = [1, 1]} : vector<8x2048xf32> to vector<4x2048xf32>
    %add3A_138 = arith.addf %slice3A_136, %slice3A_137 : vector<4x2048xf32>
    %slice3A_139 = vector.extract_strided_slice %add3A_138 {offsets = [0, 0], sizes = [2, 2048], strides = [1, 1]} : vector<4x2048xf32> to vector<2x2048xf32>
    %slice3A_140 = vector.extract_strided_slice %add3A_138 {offsets = [2, 0], sizes = [2, 2048], strides = [1, 1]} : vector<4x2048xf32> to vector<2x2048xf32>
    %add3A_141 = arith.addf %slice3A_139, %slice3A_140 : vector<2x2048xf32>
    %slice3A_142 = vector.extract_strided_slice %add3A_141 {offsets = [0, 0], sizes = [1, 2048], strides = [1, 1]} : vector<2x2048xf32> to vector<1x2048xf32>
    %slice3A_143 = vector.extract_strided_slice %add3A_141 {offsets = [1, 0], sizes = [1, 2048], strides = [1, 1]} : vector<2x2048xf32> to vector<1x2048xf32>
    %add3A_144 = arith.addf %slice3A_142, %slice3A_143 : vector<1x2048xf32>
    %add3A_145 = arith.addf %add3A_134, %add3A_144 : vector<1x2048xf32>
    %slice3A_146 = vector.extract_strided_slice %mul3A_102 {offsets = [32, 0], sizes = [8, 2048], strides = [1, 1]} : vector<64x2048xf32> to vector<8x2048xf32>
    %slice3A_147 = vector.extract_strided_slice %slice3A_146 {offsets = [0, 0], sizes = [4, 2048], strides = [1, 1]} : vector<8x2048xf32> to vector<4x2048xf32>
    %slice3A_148 = vector.extract_strided_slice %slice3A_146 {offsets = [4, 0], sizes = [4, 2048], strides = [1, 1]} : vector<8x2048xf32> to vector<4x2048xf32>
    %add3A_149 = arith.addf %slice3A_147, %slice3A_148 : vector<4x2048xf32>
    %slice3A_150 = vector.extract_strided_slice %add3A_149 {offsets = [0, 0], sizes = [2, 2048], strides = [1, 1]} : vector<4x2048xf32> to vector<2x2048xf32>
    %slice3A_151 = vector.extract_strided_slice %add3A_149 {offsets = [2, 0], sizes = [2, 2048], strides = [1, 1]} : vector<4x2048xf32> to vector<2x2048xf32>
    %add3A_152 = arith.addf %slice3A_150, %slice3A_151 : vector<2x2048xf32>
    %slice3A_153 = vector.extract_strided_slice %add3A_152 {offsets = [0, 0], sizes = [1, 2048], strides = [1, 1]} : vector<2x2048xf32> to vector<1x2048xf32>
    %slice3A_154 = vector.extract_strided_slice %add3A_152 {offsets = [1, 0], sizes = [1, 2048], strides = [1, 1]} : vector<2x2048xf32> to vector<1x2048xf32>
    %add3A_155 = arith.addf %slice3A_153, %slice3A_154 : vector<1x2048xf32>
    %add3A_156 = arith.addf %add3A_145, %add3A_155 : vector<1x2048xf32>
    %slice3A_157 = vector.extract_strided_slice %mul3A_102 {offsets = [40, 0], sizes = [8, 2048], strides = [1, 1]} : vector<64x2048xf32> to vector<8x2048xf32>
    %slice3A_158 = vector.extract_strided_slice %slice3A_157 {offsets = [0, 0], sizes = [4, 2048], strides = [1, 1]} : vector<8x2048xf32> to vector<4x2048xf32>
    %slice3A_159 = vector.extract_strided_slice %slice3A_157 {offsets = [4, 0], sizes = [4, 2048], strides = [1, 1]} : vector<8x2048xf32> to vector<4x2048xf32>
    %add3A_160 = arith.addf %slice3A_158, %slice3A_159 : vector<4x2048xf32>
    %slice3A_161 = vector.extract_strided_slice %add3A_160 {offsets = [0, 0], sizes = [2, 2048], strides = [1, 1]} : vector<4x2048xf32> to vector<2x2048xf32>
    %slice3A_162 = vector.extract_strided_slice %add3A_160 {offsets = [2, 0], sizes = [2, 2048], strides = [1, 1]} : vector<4x2048xf32> to vector<2x2048xf32>
    %add3A_163 = arith.addf %slice3A_161, %slice3A_162 : vector<2x2048xf32>
    %slice3A_164 = vector.extract_strided_slice %add3A_163 {offsets = [0, 0], sizes = [1, 2048], strides = [1, 1]} : vector<2x2048xf32> to vector<1x2048xf32>
    %slice3A_165 = vector.extract_strided_slice %add3A_163 {offsets = [1, 0], sizes = [1, 2048], strides = [1, 1]} : vector<2x2048xf32> to vector<1x2048xf32>
    %add3A_166 = arith.addf %slice3A_164, %slice3A_165 : vector<1x2048xf32>
    %add3A_167 = arith.addf %add3A_156, %add3A_166 : vector<1x2048xf32>
    %slice3A_168 = vector.extract_strided_slice %mul3A_102 {offsets = [48, 0], sizes = [8, 2048], strides = [1, 1]} : vector<64x2048xf32> to vector<8x2048xf32>
    %slice3A_169 = vector.extract_strided_slice %slice3A_168 {offsets = [0, 0], sizes = [4, 2048], strides = [1, 1]} : vector<8x2048xf32> to vector<4x2048xf32>
    %slice3A_170 = vector.extract_strided_slice %slice3A_168 {offsets = [4, 0], sizes = [4, 2048], strides = [1, 1]} : vector<8x2048xf32> to vector<4x2048xf32>
    %add3A_171 = arith.addf %slice3A_169, %slice3A_170 : vector<4x2048xf32>
    %slice3A_172 = vector.extract_strided_slice %add3A_171 {offsets = [0, 0], sizes = [2, 2048], strides = [1, 1]} : vector<4x2048xf32> to vector<2x2048xf32>
    %slice3A_173 = vector.extract_strided_slice %add3A_171 {offsets = [2, 0], sizes = [2, 2048], strides = [1, 1]} : vector<4x2048xf32> to vector<2x2048xf32>
    %add3A_174 = arith.addf %slice3A_172, %slice3A_173 : vector<2x2048xf32>
    %slice3A_175 = vector.extract_strided_slice %add3A_174 {offsets = [0, 0], sizes = [1, 2048], strides = [1, 1]} : vector<2x2048xf32> to vector<1x2048xf32>
    %slice3A_176 = vector.extract_strided_slice %add3A_174 {offsets = [1, 0], sizes = [1, 2048], strides = [1, 1]} : vector<2x2048xf32> to vector<1x2048xf32>
    %add3A_177 = arith.addf %slice3A_175, %slice3A_176 : vector<1x2048xf32>
    %add3A_178 = arith.addf %add3A_167, %add3A_177 : vector<1x2048xf32>
    %slice3A_179 = vector.extract_strided_slice %mul3A_102 {offsets = [56, 0], sizes = [8, 2048], strides = [1, 1]} : vector<64x2048xf32> to vector<8x2048xf32>
    %slice3A_180 = vector.extract_strided_slice %slice3A_179 {offsets = [0, 0], sizes = [4, 2048], strides = [1, 1]} : vector<8x2048xf32> to vector<4x2048xf32>
    %slice3A_181 = vector.extract_strided_slice %slice3A_179 {offsets = [4, 0], sizes = [4, 2048], strides = [1, 1]} : vector<8x2048xf32> to vector<4x2048xf32>
    %add3A_182 = arith.addf %slice3A_180, %slice3A_181 : vector<4x2048xf32>
    %slice3A_183 = vector.extract_strided_slice %add3A_182 {offsets = [0, 0], sizes = [2, 2048], strides = [1, 1]} : vector<4x2048xf32> to vector<2x2048xf32>
    %slice3A_184 = vector.extract_strided_slice %add3A_182 {offsets = [2, 0], sizes = [2, 2048], strides = [1, 1]} : vector<4x2048xf32> to vector<2x2048xf32>
    %add3A_185 = arith.addf %slice3A_183, %slice3A_184 : vector<2x2048xf32>
    %slice3A_186 = vector.extract_strided_slice %add3A_185 {offsets = [0, 0], sizes = [1, 2048], strides = [1, 1]} : vector<2x2048xf32> to vector<1x2048xf32>
    %slice3A_187 = vector.extract_strided_slice %add3A_185 {offsets = [1, 0], sizes = [1, 2048], strides = [1, 1]} : vector<2x2048xf32> to vector<1x2048xf32>
    %add3A_188 = arith.addf %slice3A_186, %slice3A_187 : vector<1x2048xf32>
    %add3A_189 = arith.addf %add3A_178, %add3A_188 : vector<1x2048xf32>
    %get3A_190 = arith.constant 2 : index
    %get3A_191 = arith.constant 0 : index
    %get3A_192 = arith.constant 0 : index
    %get3A_193 = vector.load %arg1[%get3A_190, %get3A_191, %get3A_192] : memref<4x2048x128xf32, #tpu.memory_space<vmem>>, vector<1x2048x128xf32>
    %get3A_194 = vector.shape_cast %get3A_193 : vector<1x2048x128xf32> to vector<2048x128xf32>
    %slice3A_195 = vector.extract_strided_slice %get3A_194 {offsets = [0, 0], sizes = [2048, 64], strides = [1, 1]} : vector<2048x128xf32> to vector<2048x64xf32>
    %transpose3A_196 = tpu.transpose %slice3A_195, [1, 0] : vector<2048x64xf32> -> vector<64x2048xf32>
    %sub3A_197 = arith.subf %transpose3A, %transpose3A_196 : vector<64x2048xf32>
    %mul3A_198 = arith.mulf %sub3A_197, %sub3A_197 : vector<64x2048xf32>
    %slice3A_199 = vector.extract_strided_slice %mul3A_198 {offsets = [0, 0], sizes = [8, 2048], strides = [1, 1]} : vector<64x2048xf32> to vector<8x2048xf32>
    %slice3A_200 = vector.extract_strided_slice %slice3A_199 {offsets = [0, 0], sizes = [4, 2048], strides = [1, 1]} : vector<8x2048xf32> to vector<4x2048xf32>
    %slice3A_201 = vector.extract_strided_slice %slice3A_199 {offsets = [4, 0], sizes = [4, 2048], strides = [1, 1]} : vector<8x2048xf32> to vector<4x2048xf32>
    %add3A_202 = arith.addf %slice3A_200, %slice3A_201 : vector<4x2048xf32>
    %slice3A_203 = vector.extract_strided_slice %add3A_202 {offsets = [0, 0], sizes = [2, 2048], strides = [1, 1]} : vector<4x2048xf32> to vector<2x2048xf32>
    %slice3A_204 = vector.extract_strided_slice %add3A_202 {offsets = [2, 0], sizes = [2, 2048], strides = [1, 1]} : vector<4x2048xf32> to vector<2x2048xf32>
    %add3A_205 = arith.addf %slice3A_203, %slice3A_204 : vector<2x2048xf32>
    %slice3A_206 = vector.extract_strided_slice %add3A_205 {offsets = [0, 0], sizes = [1, 2048], strides = [1, 1]} : vector<2x2048xf32> to vector<1x2048xf32>
    %slice3A_207 = vector.extract_strided_slice %add3A_205 {offsets = [1, 0], sizes = [1, 2048], strides = [1, 1]} : vector<2x2048xf32> to vector<1x2048xf32>
    %add3A_208 = arith.addf %slice3A_206, %slice3A_207 : vector<1x2048xf32>
    %slice3A_209 = vector.extract_strided_slice %mul3A_198 {offsets = [8, 0], sizes = [8, 2048], strides = [1, 1]} : vector<64x2048xf32> to vector<8x2048xf32>
    %slice3A_210 = vector.extract_strided_slice %slice3A_209 {offsets = [0, 0], sizes = [4, 2048], strides = [1, 1]} : vector<8x2048xf32> to vector<4x2048xf32>
    %slice3A_211 = vector.extract_strided_slice %slice3A_209 {offsets = [4, 0], sizes = [4, 2048], strides = [1, 1]} : vector<8x2048xf32> to vector<4x2048xf32>
    %add3A_212 = arith.addf %slice3A_210, %slice3A_211 : vector<4x2048xf32>
    %slice3A_213 = vector.extract_strided_slice %add3A_212 {offsets = [0, 0], sizes = [2, 2048], strides = [1, 1]} : vector<4x2048xf32> to vector<2x2048xf32>
    %slice3A_214 = vector.extract_strided_slice %add3A_212 {offsets = [2, 0], sizes = [2, 2048], strides = [1, 1]} : vector<4x2048xf32> to vector<2x2048xf32>
    %add3A_215 = arith.addf %slice3A_213, %slice3A_214 : vector<2x2048xf32>
    %slice3A_216 = vector.extract_strided_slice %add3A_215 {offsets = [0, 0], sizes = [1, 2048], strides = [1, 1]} : vector<2x2048xf32> to vector<1x2048xf32>
    %slice3A_217 = vector.extract_strided_slice %add3A_215 {offsets = [1, 0], sizes = [1, 2048], strides = [1, 1]} : vector<2x2048xf32> to vector<1x2048xf32>
    %add3A_218 = arith.addf %slice3A_216, %slice3A_217 : vector<1x2048xf32>
    %add3A_219 = arith.addf %add3A_208, %add3A_218 : vector<1x2048xf32>
    %slice3A_220 = vector.extract_strided_slice %mul3A_198 {offsets = [16, 0], sizes = [8, 2048], strides = [1, 1]} : vector<64x2048xf32> to vector<8x2048xf32>
    %slice3A_221 = vector.extract_strided_slice %slice3A_220 {offsets = [0, 0], sizes = [4, 2048], strides = [1, 1]} : vector<8x2048xf32> to vector<4x2048xf32>
    %slice3A_222 = vector.extract_strided_slice %slice3A_220 {offsets = [4, 0], sizes = [4, 2048], strides = [1, 1]} : vector<8x2048xf32> to vector<4x2048xf32>
    %add3A_223 = arith.addf %slice3A_221, %slice3A_222 : vector<4x2048xf32>
    %slice3A_224 = vector.extract_strided_slice %add3A_223 {offsets = [0, 0], sizes = [2, 2048], strides = [1, 1]} : vector<4x2048xf32> to vector<2x2048xf32>
    %slice3A_225 = vector.extract_strided_slice %add3A_223 {offsets = [2, 0], sizes = [2, 2048], strides = [1, 1]} : vector<4x2048xf32> to vector<2x2048xf32>
    %add3A_226 = arith.addf %slice3A_224, %slice3A_225 : vector<2x2048xf32>
    %slice3A_227 = vector.extract_strided_slice %add3A_226 {offsets = [0, 0], sizes = [1, 2048], strides = [1, 1]} : vector<2x2048xf32> to vector<1x2048xf32>
    %slice3A_228 = vector.extract_strided_slice %add3A_226 {offsets = [1, 0], sizes = [1, 2048], strides = [1, 1]} : vector<2x2048xf32> to vector<1x2048xf32>
    %add3A_229 = arith.addf %slice3A_227, %slice3A_228 : vector<1x2048xf32>
    %add3A_230 = arith.addf %add3A_219, %add3A_229 : vector<1x2048xf32>
    %slice3A_231 = vector.extract_strided_slice %mul3A_198 {offsets = [24, 0], sizes = [8, 2048], strides = [1, 1]} : vector<64x2048xf32> to vector<8x2048xf32>
    %slice3A_232 = vector.extract_strided_slice %slice3A_231 {offsets = [0, 0], sizes = [4, 2048], strides = [1, 1]} : vector<8x2048xf32> to vector<4x2048xf32>
    %slice3A_233 = vector.extract_strided_slice %slice3A_231 {offsets = [4, 0], sizes = [4, 2048], strides = [1, 1]} : vector<8x2048xf32> to vector<4x2048xf32>
    %add3A_234 = arith.addf %slice3A_232, %slice3A_233 : vector<4x2048xf32>
    %slice3A_235 = vector.extract_strided_slice %add3A_234 {offsets = [0, 0], sizes = [2, 2048], strides = [1, 1]} : vector<4x2048xf32> to vector<2x2048xf32>
    %slice3A_236 = vector.extract_strided_slice %add3A_234 {offsets = [2, 0], sizes = [2, 2048], strides = [1, 1]} : vector<4x2048xf32> to vector<2x2048xf32>
    %add3A_237 = arith.addf %slice3A_235, %slice3A_236 : vector<2x2048xf32>
    %slice3A_238 = vector.extract_strided_slice %add3A_237 {offsets = [0, 0], sizes = [1, 2048], strides = [1, 1]} : vector<2x2048xf32> to vector<1x2048xf32>
    %slice3A_239 = vector.extract_strided_slice %add3A_237 {offsets = [1, 0], sizes = [1, 2048], strides = [1, 1]} : vector<2x2048xf32> to vector<1x2048xf32>
    %add3A_240 = arith.addf %slice3A_238, %slice3A_239 : vector<1x2048xf32>
    %add3A_241 = arith.addf %add3A_230, %add3A_240 : vector<1x2048xf32>
    %slice3A_242 = vector.extract_strided_slice %mul3A_198 {offsets = [32, 0], sizes = [8, 2048], strides = [1, 1]} : vector<64x2048xf32> to vector<8x2048xf32>
    %slice3A_243 = vector.extract_strided_slice %slice3A_242 {offsets = [0, 0], sizes = [4, 2048], strides = [1, 1]} : vector<8x2048xf32> to vector<4x2048xf32>
    %slice3A_244 = vector.extract_strided_slice %slice3A_242 {offsets = [4, 0], sizes = [4, 2048], strides = [1, 1]} : vector<8x2048xf32> to vector<4x2048xf32>
    %add3A_245 = arith.addf %slice3A_243, %slice3A_244 : vector<4x2048xf32>
    %slice3A_246 = vector.extract_strided_slice %add3A_245 {offsets = [0, 0], sizes = [2, 2048], strides = [1, 1]} : vector<4x2048xf32> to vector<2x2048xf32>
    %slice3A_247 = vector.extract_strided_slice %add3A_245 {offsets = [2, 0], sizes = [2, 2048], strides = [1, 1]} : vector<4x2048xf32> to vector<2x2048xf32>
    %add3A_248 = arith.addf %slice3A_246, %slice3A_247 : vector<2x2048xf32>
    %slice3A_249 = vector.extract_strided_slice %add3A_248 {offsets = [0, 0], sizes = [1, 2048], strides = [1, 1]} : vector<2x2048xf32> to vector<1x2048xf32>
    %slice3A_250 = vector.extract_strided_slice %add3A_248 {offsets = [1, 0], sizes = [1, 2048], strides = [1, 1]} : vector<2x2048xf32> to vector<1x2048xf32>
    %add3A_251 = arith.addf %slice3A_249, %slice3A_250 : vector<1x2048xf32>
    %add3A_252 = arith.addf %add3A_241, %add3A_251 : vector<1x2048xf32>
    %slice3A_253 = vector.extract_strided_slice %mul3A_198 {offsets = [40, 0], sizes = [8, 2048], strides = [1, 1]} : vector<64x2048xf32> to vector<8x2048xf32>
    %slice3A_254 = vector.extract_strided_slice %slice3A_253 {offsets = [0, 0], sizes = [4, 2048], strides = [1, 1]} : vector<8x2048xf32> to vector<4x2048xf32>
    %slice3A_255 = vector.extract_strided_slice %slice3A_253 {offsets = [4, 0], sizes = [4, 2048], strides = [1, 1]} : vector<8x2048xf32> to vector<4x2048xf32>
    %add3A_256 = arith.addf %slice3A_254, %slice3A_255 : vector<4x2048xf32>
    %slice3A_257 = vector.extract_strided_slice %add3A_256 {offsets = [0, 0], sizes = [2, 2048], strides = [1, 1]} : vector<4x2048xf32> to vector<2x2048xf32>
    %slice3A_258 = vector.extract_strided_slice %add3A_256 {offsets = [2, 0], sizes = [2, 2048], strides = [1, 1]} : vector<4x2048xf32> to vector<2x2048xf32>
    %add3A_259 = arith.addf %slice3A_257, %slice3A_258 : vector<2x2048xf32>
    %slice3A_260 = vector.extract_strided_slice %add3A_259 {offsets = [0, 0], sizes = [1, 2048], strides = [1, 1]} : vector<2x2048xf32> to vector<1x2048xf32>
    %slice3A_261 = vector.extract_strided_slice %add3A_259 {offsets = [1, 0], sizes = [1, 2048], strides = [1, 1]} : vector<2x2048xf32> to vector<1x2048xf32>
    %add3A_262 = arith.addf %slice3A_260, %slice3A_261 : vector<1x2048xf32>
    %add3A_263 = arith.addf %add3A_252, %add3A_262 : vector<1x2048xf32>
    %slice3A_264 = vector.extract_strided_slice %mul3A_198 {offsets = [48, 0], sizes = [8, 2048], strides = [1, 1]} : vector<64x2048xf32> to vector<8x2048xf32>
    %slice3A_265 = vector.extract_strided_slice %slice3A_264 {offsets = [0, 0], sizes = [4, 2048], strides = [1, 1]} : vector<8x2048xf32> to vector<4x2048xf32>
    %slice3A_266 = vector.extract_strided_slice %slice3A_264 {offsets = [4, 0], sizes = [4, 2048], strides = [1, 1]} : vector<8x2048xf32> to vector<4x2048xf32>
    %add3A_267 = arith.addf %slice3A_265, %slice3A_266 : vector<4x2048xf32>
    %slice3A_268 = vector.extract_strided_slice %add3A_267 {offsets = [0, 0], sizes = [2, 2048], strides = [1, 1]} : vector<4x2048xf32> to vector<2x2048xf32>
    %slice3A_269 = vector.extract_strided_slice %add3A_267 {offsets = [2, 0], sizes = [2, 2048], strides = [1, 1]} : vector<4x2048xf32> to vector<2x2048xf32>
    %add3A_270 = arith.addf %slice3A_268, %slice3A_269 : vector<2x2048xf32>
    %slice3A_271 = vector.extract_strided_slice %add3A_270 {offsets = [0, 0], sizes = [1, 2048], strides = [1, 1]} : vector<2x2048xf32> to vector<1x2048xf32>
    %slice3A_272 = vector.extract_strided_slice %add3A_270 {offsets = [1, 0], sizes = [1, 2048], strides = [1, 1]} : vector<2x2048xf32> to vector<1x2048xf32>
    %add3A_273 = arith.addf %slice3A_271, %slice3A_272 : vector<1x2048xf32>
    %add3A_274 = arith.addf %add3A_263, %add3A_273 : vector<1x2048xf32>
    %slice3A_275 = vector.extract_strided_slice %mul3A_198 {offsets = [56, 0], sizes = [8, 2048], strides = [1, 1]} : vector<64x2048xf32> to vector<8x2048xf32>
    %slice3A_276 = vector.extract_strided_slice %slice3A_275 {offsets = [0, 0], sizes = [4, 2048], strides = [1, 1]} : vector<8x2048xf32> to vector<4x2048xf32>
    %slice3A_277 = vector.extract_strided_slice %slice3A_275 {offsets = [4, 0], sizes = [4, 2048], strides = [1, 1]} : vector<8x2048xf32> to vector<4x2048xf32>
    %add3A_278 = arith.addf %slice3A_276, %slice3A_277 : vector<4x2048xf32>
    %slice3A_279 = vector.extract_strided_slice %add3A_278 {offsets = [0, 0], sizes = [2, 2048], strides = [1, 1]} : vector<4x2048xf32> to vector<2x2048xf32>
    %slice3A_280 = vector.extract_strided_slice %add3A_278 {offsets = [2, 0], sizes = [2, 2048], strides = [1, 1]} : vector<4x2048xf32> to vector<2x2048xf32>
    %add3A_281 = arith.addf %slice3A_279, %slice3A_280 : vector<2x2048xf32>
    %slice3A_282 = vector.extract_strided_slice %add3A_281 {offsets = [0, 0], sizes = [1, 2048], strides = [1, 1]} : vector<2x2048xf32> to vector<1x2048xf32>
    %slice3A_283 = vector.extract_strided_slice %add3A_281 {offsets = [1, 0], sizes = [1, 2048], strides = [1, 1]} : vector<2x2048xf32> to vector<1x2048xf32>
    %add3A_284 = arith.addf %slice3A_282, %slice3A_283 : vector<1x2048xf32>
    %add3A_285 = arith.addf %add3A_274, %add3A_284 : vector<1x2048xf32>
    %get3A_286 = arith.constant 3 : index
    %get3A_287 = arith.constant 0 : index
    %get3A_288 = arith.constant 0 : index
    %get3A_289 = vector.load %arg1[%get3A_286, %get3A_287, %get3A_288] : memref<4x2048x128xf32, #tpu.memory_space<vmem>>, vector<1x2048x128xf32>
    %get3A_290 = vector.shape_cast %get3A_289 : vector<1x2048x128xf32> to vector<2048x128xf32>
    %slice3A_291 = vector.extract_strided_slice %get3A_290 {offsets = [0, 0], sizes = [2048, 64], strides = [1, 1]} : vector<2048x128xf32> to vector<2048x64xf32>
    %transpose3A_292 = tpu.transpose %slice3A_291, [1, 0] : vector<2048x64xf32> -> vector<64x2048xf32>
    %sub3A_293 = arith.subf %transpose3A, %transpose3A_292 : vector<64x2048xf32>
    %mul3A_294 = arith.mulf %sub3A_293, %sub3A_293 : vector<64x2048xf32>
    %slice3A_295 = vector.extract_strided_slice %mul3A_294 {offsets = [0, 0], sizes = [8, 2048], strides = [1, 1]} : vector<64x2048xf32> to vector<8x2048xf32>
    %slice3A_296 = vector.extract_strided_slice %slice3A_295 {offsets = [0, 0], sizes = [4, 2048], strides = [1, 1]} : vector<8x2048xf32> to vector<4x2048xf32>
    %slice3A_297 = vector.extract_strided_slice %slice3A_295 {offsets = [4, 0], sizes = [4, 2048], strides = [1, 1]} : vector<8x2048xf32> to vector<4x2048xf32>
    %add3A_298 = arith.addf %slice3A_296, %slice3A_297 : vector<4x2048xf32>
    %slice3A_299 = vector.extract_strided_slice %add3A_298 {offsets = [0, 0], sizes = [2, 2048], strides = [1, 1]} : vector<4x2048xf32> to vector<2x2048xf32>
    %slice3A_300 = vector.extract_strided_slice %add3A_298 {offsets = [2, 0], sizes = [2, 2048], strides = [1, 1]} : vector<4x2048xf32> to vector<2x2048xf32>
    %add3A_301 = arith.addf %slice3A_299, %slice3A_300 : vector<2x2048xf32>
    %slice3A_302 = vector.extract_strided_slice %add3A_301 {offsets = [0, 0], sizes = [1, 2048], strides = [1, 1]} : vector<2x2048xf32> to vector<1x2048xf32>
    %slice3A_303 = vector.extract_strided_slice %add3A_301 {offsets = [1, 0], sizes = [1, 2048], strides = [1, 1]} : vector<2x2048xf32> to vector<1x2048xf32>
    %add3A_304 = arith.addf %slice3A_302, %slice3A_303 : vector<1x2048xf32>
    %slice3A_305 = vector.extract_strided_slice %mul3A_294 {offsets = [8, 0], sizes = [8, 2048], strides = [1, 1]} : vector<64x2048xf32> to vector<8x2048xf32>
    %slice3A_306 = vector.extract_strided_slice %slice3A_305 {offsets = [0, 0], sizes = [4, 2048], strides = [1, 1]} : vector<8x2048xf32> to vector<4x2048xf32>
    %slice3A_307 = vector.extract_strided_slice %slice3A_305 {offsets = [4, 0], sizes = [4, 2048], strides = [1, 1]} : vector<8x2048xf32> to vector<4x2048xf32>
    %add3A_308 = arith.addf %slice3A_306, %slice3A_307 : vector<4x2048xf32>
    %slice3A_309 = vector.extract_strided_slice %add3A_308 {offsets = [0, 0], sizes = [2, 2048], strides = [1, 1]} : vector<4x2048xf32> to vector<2x2048xf32>
    %slice3A_310 = vector.extract_strided_slice %add3A_308 {offsets = [2, 0], sizes = [2, 2048], strides = [1, 1]} : vector<4x2048xf32> to vector<2x2048xf32>
    %add3A_311 = arith.addf %slice3A_309, %slice3A_310 : vector<2x2048xf32>
    %slice3A_312 = vector.extract_strided_slice %add3A_311 {offsets = [0, 0], sizes = [1, 2048], strides = [1, 1]} : vector<2x2048xf32> to vector<1x2048xf32>
    %slice3A_313 = vector.extract_strided_slice %add3A_311 {offsets = [1, 0], sizes = [1, 2048], strides = [1, 1]} : vector<2x2048xf32> to vector<1x2048xf32>
    %add3A_314 = arith.addf %slice3A_312, %slice3A_313 : vector<1x2048xf32>
    %add3A_315 = arith.addf %add3A_304, %add3A_314 : vector<1x2048xf32>
    %slice3A_316 = vector.extract_strided_slice %mul3A_294 {offsets = [16, 0], sizes = [8, 2048], strides = [1, 1]} : vector<64x2048xf32> to vector<8x2048xf32>
    %slice3A_317 = vector.extract_strided_slice %slice3A_316 {offsets = [0, 0], sizes = [4, 2048], strides = [1, 1]} : vector<8x2048xf32> to vector<4x2048xf32>
    %slice3A_318 = vector.extract_strided_slice %slice3A_316 {offsets = [4, 0], sizes = [4, 2048], strides = [1, 1]} : vector<8x2048xf32> to vector<4x2048xf32>
    %add3A_319 = arith.addf %slice3A_317, %slice3A_318 : vector<4x2048xf32>
    %slice3A_320 = vector.extract_strided_slice %add3A_319 {offsets = [0, 0], sizes = [2, 2048], strides = [1, 1]} : vector<4x2048xf32> to vector<2x2048xf32>
    %slice3A_321 = vector.extract_strided_slice %add3A_319 {offsets = [2, 0], sizes = [2, 2048], strides = [1, 1]} : vector<4x2048xf32> to vector<2x2048xf32>
    %add3A_322 = arith.addf %slice3A_320, %slice3A_321 : vector<2x2048xf32>
    %slice3A_323 = vector.extract_strided_slice %add3A_322 {offsets = [0, 0], sizes = [1, 2048], strides = [1, 1]} : vector<2x2048xf32> to vector<1x2048xf32>
    %slice3A_324 = vector.extract_strided_slice %add3A_322 {offsets = [1, 0], sizes = [1, 2048], strides = [1, 1]} : vector<2x2048xf32> to vector<1x2048xf32>
    %add3A_325 = arith.addf %slice3A_323, %slice3A_324 : vector<1x2048xf32>
    %add3A_326 = arith.addf %add3A_315, %add3A_325 : vector<1x2048xf32>
    %slice3A_327 = vector.extract_strided_slice %mul3A_294 {offsets = [24, 0], sizes = [8, 2048], strides = [1, 1]} : vector<64x2048xf32> to vector<8x2048xf32>
    %slice3A_328 = vector.extract_strided_slice %slice3A_327 {offsets = [0, 0], sizes = [4, 2048], strides = [1, 1]} : vector<8x2048xf32> to vector<4x2048xf32>
    %slice3A_329 = vector.extract_strided_slice %slice3A_327 {offsets = [4, 0], sizes = [4, 2048], strides = [1, 1]} : vector<8x2048xf32> to vector<4x2048xf32>
    %add3A_330 = arith.addf %slice3A_328, %slice3A_329 : vector<4x2048xf32>
    %slice3A_331 = vector.extract_strided_slice %add3A_330 {offsets = [0, 0], sizes = [2, 2048], strides = [1, 1]} : vector<4x2048xf32> to vector<2x2048xf32>
    %slice3A_332 = vector.extract_strided_slice %add3A_330 {offsets = [2, 0], sizes = [2, 2048], strides = [1, 1]} : vector<4x2048xf32> to vector<2x2048xf32>
    %add3A_333 = arith.addf %slice3A_331, %slice3A_332 : vector<2x2048xf32>
    %slice3A_334 = vector.extract_strided_slice %add3A_333 {offsets = [0, 0], sizes = [1, 2048], strides = [1, 1]} : vector<2x2048xf32> to vector<1x2048xf32>
    %slice3A_335 = vector.extract_strided_slice %add3A_333 {offsets = [1, 0], sizes = [1, 2048], strides = [1, 1]} : vector<2x2048xf32> to vector<1x2048xf32>
    %add3A_336 = arith.addf %slice3A_334, %slice3A_335 : vector<1x2048xf32>
    %add3A_337 = arith.addf %add3A_326, %add3A_336 : vector<1x2048xf32>
    %slice3A_338 = vector.extract_strided_slice %mul3A_294 {offsets = [32, 0], sizes = [8, 2048], strides = [1, 1]} : vector<64x2048xf32> to vector<8x2048xf32>
    %slice3A_339 = vector.extract_strided_slice %slice3A_338 {offsets = [0, 0], sizes = [4, 2048], strides = [1, 1]} : vector<8x2048xf32> to vector<4x2048xf32>
    %slice3A_340 = vector.extract_strided_slice %slice3A_338 {offsets = [4, 0], sizes = [4, 2048], strides = [1, 1]} : vector<8x2048xf32> to vector<4x2048xf32>
    %add3A_341 = arith.addf %slice3A_339, %slice3A_340 : vector<4x2048xf32>
    %slice3A_342 = vector.extract_strided_slice %add3A_341 {offsets = [0, 0], sizes = [2, 2048], strides = [1, 1]} : vector<4x2048xf32> to vector<2x2048xf32>
    %slice3A_343 = vector.extract_strided_slice %add3A_341 {offsets = [2, 0], sizes = [2, 2048], strides = [1, 1]} : vector<4x2048xf32> to vector<2x2048xf32>
    %add3A_344 = arith.addf %slice3A_342, %slice3A_343 : vector<2x2048xf32>
    %slice3A_345 = vector.extract_strided_slice %add3A_344 {offsets = [0, 0], sizes = [1, 2048], strides = [1, 1]} : vector<2x2048xf32> to vector<1x2048xf32>
    %slice3A_346 = vector.extract_strided_slice %add3A_344 {offsets = [1, 0], sizes = [1, 2048], strides = [1, 1]} : vector<2x2048xf32> to vector<1x2048xf32>
    %add3A_347 = arith.addf %slice3A_345, %slice3A_346 : vector<1x2048xf32>
    %add3A_348 = arith.addf %add3A_337, %add3A_347 : vector<1x2048xf32>
    %slice3A_349 = vector.extract_strided_slice %mul3A_294 {offsets = [40, 0], sizes = [8, 2048], strides = [1, 1]} : vector<64x2048xf32> to vector<8x2048xf32>
    %slice3A_350 = vector.extract_strided_slice %slice3A_349 {offsets = [0, 0], sizes = [4, 2048], strides = [1, 1]} : vector<8x2048xf32> to vector<4x2048xf32>
    %slice3A_351 = vector.extract_strided_slice %slice3A_349 {offsets = [4, 0], sizes = [4, 2048], strides = [1, 1]} : vector<8x2048xf32> to vector<4x2048xf32>
    %add3A_352 = arith.addf %slice3A_350, %slice3A_351 : vector<4x2048xf32>
    %slice3A_353 = vector.extract_strided_slice %add3A_352 {offsets = [0, 0], sizes = [2, 2048], strides = [1, 1]} : vector<4x2048xf32> to vector<2x2048xf32>
    %slice3A_354 = vector.extract_strided_slice %add3A_352 {offsets = [2, 0], sizes = [2, 2048], strides = [1, 1]} : vector<4x2048xf32> to vector<2x2048xf32>
    %add3A_355 = arith.addf %slice3A_353, %slice3A_354 : vector<2x2048xf32>
    %slice3A_356 = vector.extract_strided_slice %add3A_355 {offsets = [0, 0], sizes = [1, 2048], strides = [1, 1]} : vector<2x2048xf32> to vector<1x2048xf32>
    %slice3A_357 = vector.extract_strided_slice %add3A_355 {offsets = [1, 0], sizes = [1, 2048], strides = [1, 1]} : vector<2x2048xf32> to vector<1x2048xf32>
    %add3A_358 = arith.addf %slice3A_356, %slice3A_357 : vector<1x2048xf32>
    %add3A_359 = arith.addf %add3A_348, %add3A_358 : vector<1x2048xf32>
    %slice3A_360 = vector.extract_strided_slice %mul3A_294 {offsets = [48, 0], sizes = [8, 2048], strides = [1, 1]} : vector<64x2048xf32> to vector<8x2048xf32>
    %slice3A_361 = vector.extract_strided_slice %slice3A_360 {offsets = [0, 0], sizes = [4, 2048], strides = [1, 1]} : vector<8x2048xf32> to vector<4x2048xf32>
    %slice3A_362 = vector.extract_strided_slice %slice3A_360 {offsets = [4, 0], sizes = [4, 2048], strides = [1, 1]} : vector<8x2048xf32> to vector<4x2048xf32>
    %add3A_363 = arith.addf %slice3A_361, %slice3A_362 : vector<4x2048xf32>
    %slice3A_364 = vector.extract_strided_slice %add3A_363 {offsets = [0, 0], sizes = [2, 2048], strides = [1, 1]} : vector<4x2048xf32> to vector<2x2048xf32>
    %slice3A_365 = vector.extract_strided_slice %add3A_363 {offsets = [2, 0], sizes = [2, 2048], strides = [1, 1]} : vector<4x2048xf32> to vector<2x2048xf32>
    %add3A_366 = arith.addf %slice3A_364, %slice3A_365 : vector<2x2048xf32>
    %slice3A_367 = vector.extract_strided_slice %add3A_366 {offsets = [0, 0], sizes = [1, 2048], strides = [1, 1]} : vector<2x2048xf32> to vector<1x2048xf32>
    %slice3A_368 = vector.extract_strided_slice %add3A_366 {offsets = [1, 0], sizes = [1, 2048], strides = [1, 1]} : vector<2x2048xf32> to vector<1x2048xf32>
    %add3A_369 = arith.addf %slice3A_367, %slice3A_368 : vector<1x2048xf32>
    %add3A_370 = arith.addf %add3A_359, %add3A_369 : vector<1x2048xf32>
    %slice3A_371 = vector.extract_strided_slice %mul3A_294 {offsets = [56, 0], sizes = [8, 2048], strides = [1, 1]} : vector<64x2048xf32> to vector<8x2048xf32>
    %slice3A_372 = vector.extract_strided_slice %slice3A_371 {offsets = [0, 0], sizes = [4, 2048], strides = [1, 1]} : vector<8x2048xf32> to vector<4x2048xf32>
    %slice3A_373 = vector.extract_strided_slice %slice3A_371 {offsets = [4, 0], sizes = [4, 2048], strides = [1, 1]} : vector<8x2048xf32> to vector<4x2048xf32>
    %add3A_374 = arith.addf %slice3A_372, %slice3A_373 : vector<4x2048xf32>
    %slice3A_375 = vector.extract_strided_slice %add3A_374 {offsets = [0, 0], sizes = [2, 2048], strides = [1, 1]} : vector<4x2048xf32> to vector<2x2048xf32>
    %slice3A_376 = vector.extract_strided_slice %add3A_374 {offsets = [2, 0], sizes = [2, 2048], strides = [1, 1]} : vector<4x2048xf32> to vector<2x2048xf32>
    %add3A_377 = arith.addf %slice3A_375, %slice3A_376 : vector<2x2048xf32>
    %slice3A_378 = vector.extract_strided_slice %add3A_377 {offsets = [0, 0], sizes = [1, 2048], strides = [1, 1]} : vector<2x2048xf32> to vector<1x2048xf32>
    %slice3A_379 = vector.extract_strided_slice %add3A_377 {offsets = [1, 0], sizes = [1, 2048], strides = [1, 1]} : vector<2x2048xf32> to vector<1x2048xf32>
    %add3A_380 = arith.addf %slice3A_378, %slice3A_379 : vector<1x2048xf32>
    %add3A_381 = arith.addf %add3A_370, %add3A_380 : vector<1x2048xf32>
    %concatenate3A = tpu.concatenate %add3A_93, %add3A_189, %add3A_285, %add3A_381 in 0 : vector<1x2048xf32>, vector<1x2048xf32>, vector<1x2048xf32>, vector<1x2048xf32> -> vector<4x2048xf32>
    %get3A_382 = arith.constant 0 : index
    %get3A_383 = arith.constant 0 : index
    %get3A_384 = vector.load %arg2[%get3A_382, %get3A_383] : memref<4x2048xi32, #tpu.memory_space<vmem>>, vector<4x2048xi32>
    %reduce_min3A = arith.constant dense<0x7F800000> : vector<2048xf32>
    %reduce_min3A_385 = vector.multi_reduction <minimumf>, %concatenate3A, %reduce_min3A [0] : vector<4x2048xf32> to vector<2048xf32>
    %broadcast_in_dim3A = vector.shape_cast %reduce_min3A_385 : vector<2048xf32> to vector<1x2048xf32>
    %eq3A = vector.broadcast %broadcast_in_dim3A : vector<1x2048xf32> to vector<4x2048xf32>
    %eq3A_386 = arith.cmpf oeq, %concatenate3A, %eq3A : vector<4x2048xf32>
    %jit3A = arith.constant 512 : i32
    %broadcast_in_dim3A_387 = vector.broadcast %jit3A : i32 to vector<4x2048xi32>
    %select_n3A = arith.select %eq3A_386, %get3A_384, %broadcast_in_dim3A_387 : vector<4x2048xi1>, vector<4x2048xi32>
    %reduce_min3A_388 = arith.constant dense<2147483647> : vector<2048xi32>
    %reduce_min3A_389 = vector.multi_reduction <minsi>, %select_n3A, %reduce_min3A_388 [0] : vector<4x2048xi32> to vector<2048xi32>
    %broadcast_in_dim3A_390 = vector.shape_cast %reduce_min3A_389 : vector<2048xi32> to vector<1x2048xi32>
    %broadcast_in_dim3A_391 = arith.constant 0.000000e+00 : f32
    %broadcast_in_dim3A_392 = vector.broadcast %broadcast_in_dim3A_391 : f32 to vector<64x2048xf32>
    %slice3A_393 = vector.extract_strided_slice %get3A_384 {offsets = [0, 0], sizes = [1, 2048], strides = [1, 1]} : vector<4x2048xi32> to vector<1x2048xi32>
    %eq3A_394 = arith.cmpi eq, %slice3A_393, %broadcast_in_dim3A_390 : vector<1x2048xi32>
    %jit3A_395 = arith.constant 0.000000e+00 : f32
    %broadcast_in_dim3A_396 = vector.shape_cast %eq3A_394 : vector<1x2048xi1> to vector<1x2048xi1>
    %broadcast_in_dim3A_397 = vector.broadcast %broadcast_in_dim3A_396 : vector<1x2048xi1> to vector<64x2048xi1>
    %broadcast_in_dim3A_398 = vector.broadcast %jit3A_395 : f32 to vector<64x2048xf32>
    %select_n3A_399 = arith.select %broadcast_in_dim3A_397, %transpose3A_7, %broadcast_in_dim3A_398 : vector<64x2048xi1>, vector<64x2048xf32>
    %add3A_400 = arith.addf %broadcast_in_dim3A_392, %select_n3A_399 : vector<64x2048xf32>
    %slice3A_401 = vector.extract_strided_slice %get3A_384 {offsets = [1, 0], sizes = [1, 2048], strides = [1, 1]} : vector<4x2048xi32> to vector<1x2048xi32>
    %eq3A_402 = arith.cmpi eq, %slice3A_401, %broadcast_in_dim3A_390 : vector<1x2048xi32>
    %jit3A_403 = arith.constant 0.000000e+00 : f32
    %broadcast_in_dim3A_404 = vector.shape_cast %eq3A_402 : vector<1x2048xi1> to vector<1x2048xi1>
    %broadcast_in_dim3A_405 = vector.broadcast %broadcast_in_dim3A_404 : vector<1x2048xi1> to vector<64x2048xi1>
    %broadcast_in_dim3A_406 = vector.broadcast %jit3A_403 : f32 to vector<64x2048xf32>
    %select_n3A_407 = arith.select %broadcast_in_dim3A_405, %transpose3A_100, %broadcast_in_dim3A_406 : vector<64x2048xi1>, vector<64x2048xf32>
    %add3A_408 = arith.addf %add3A_400, %select_n3A_407 : vector<64x2048xf32>
    %slice3A_409 = vector.extract_strided_slice %get3A_384 {offsets = [2, 0], sizes = [1, 2048], strides = [1, 1]} : vector<4x2048xi32> to vector<1x2048xi32>
    %eq3A_410 = arith.cmpi eq, %slice3A_409, %broadcast_in_dim3A_390 : vector<1x2048xi32>
    %jit3A_411 = arith.constant 0.000000e+00 : f32
    %broadcast_in_dim3A_412 = vector.shape_cast %eq3A_410 : vector<1x2048xi1> to vector<1x2048xi1>
    %broadcast_in_dim3A_413 = vector.broadcast %broadcast_in_dim3A_412 : vector<1x2048xi1> to vector<64x2048xi1>
    %broadcast_in_dim3A_414 = vector.broadcast %jit3A_411 : f32 to vector<64x2048xf32>
    %select_n3A_415 = arith.select %broadcast_in_dim3A_413, %transpose3A_196, %broadcast_in_dim3A_414 : vector<64x2048xi1>, vector<64x2048xf32>
    %add3A_416 = arith.addf %add3A_408, %select_n3A_415 : vector<64x2048xf32>
    %slice3A_417 = vector.extract_strided_slice %get3A_384 {offsets = [3, 0], sizes = [1, 2048], strides = [1, 1]} : vector<4x2048xi32> to vector<1x2048xi32>
    %eq3A_418 = arith.cmpi eq, %slice3A_417, %broadcast_in_dim3A_390 : vector<1x2048xi32>
    %jit3A_419 = arith.constant 0.000000e+00 : f32
    %broadcast_in_dim3A_420 = vector.shape_cast %eq3A_418 : vector<1x2048xi1> to vector<1x2048xi1>
    %broadcast_in_dim3A_421 = vector.broadcast %broadcast_in_dim3A_420 : vector<1x2048xi1> to vector<64x2048xi1>
    %broadcast_in_dim3A_422 = vector.broadcast %jit3A_419 : f32 to vector<64x2048xf32>
    %select_n3A_423 = arith.select %broadcast_in_dim3A_421, %transpose3A_292, %broadcast_in_dim3A_422 : vector<64x2048xi1>, vector<64x2048xf32>
    %add3A_424 = arith.addf %add3A_416, %select_n3A_423 : vector<64x2048xf32>
    %sub3A_425 = arith.subf %add3A_424, %transpose3A : vector<64x2048xf32>
    %add3A_426 = arith.addf %transpose3A, %sub3A_425 : vector<64x2048xf32>
    %transpose3A_427 = tpu.transpose %add3A_426, [1, 0] : vector<64x2048xf32> -> vector<2048x64xf32>
    %swap3A = arith.constant 0 : index
    %swap3A_428 = arith.constant 0 : index
    %swap3A_429 = vector.load %arg3[%swap3A, %swap3A_428] : memref<2048x64xf32, #tpu.memory_space<vmem>>, vector<2048x64xf32>
    tpu.vector_store %arg3[%swap3A, %swap3A_428], %transpose3A_427 {strides = array<i32>} : memref<2048x64xf32, #tpu.memory_space<vmem>>, vector<2048x64xf32>,
    %sub3A_430 = arith.subf %add3A_424, %transpose3A : vector<64x2048xf32>
    %mul3A_431 = arith.mulf %sub3A_430, %sub3A_430 : vector<64x2048xf32>
    %reduce_sum3A = vector.shape_cast %mul3A_431 : vector<64x2048xf32> to vector<1x64x2048xf32>
    %reduce_sum3A_432 = arith.constant dense<0.000000e+00> : vector<1xf32>
    %reduce_sum3A_433 = vector.multi_reduction <add>, %reduce_sum3A, %reduce_sum3A_432 [1, 2] : vector<1x64x2048xf32> to vector<1xf32>
    %reduce_sum3A_434 = vector.shape_cast %reduce_sum3A_433 : vector<1xf32> to vector<1x1x1xf32>
    %reduce_sum3A_435 = vector.extract %reduce_sum3A_434[0, 0, 0] : f32 from vector<1x1x1xf32>
    %div3A = arith.constant 1.310720e+05 : f32
    %div3A_436 = arith.divf %reduce_sum3A_435, %div3A : f32
    %mul3A_437 = arith.constant 2.500000e-01 : f32
    %mul3A_438 = arith.mulf %mul3A_437, %div3A_436 : f32
    %add3A_439 = arith.addf %div3A_436, %mul3A_438 : f32
    %reshape3A = vector.broadcast %add3A_439 : f32 to vector<1x1xf32>
    %swap3A_440 = arith.constant 0 : index
    %swap3A_441 = arith.constant 0 : index
    %swap3A_442 = vector.load %arg4[%swap3A_440, %swap3A_441] : memref<1x1xf32, #tpu.memory_space<vmem>>, vector<1x1xf32>
    tpu.vector_store %arg4[%swap3A_440, %swap3A_441], %reshape3A {strides = array<i32>} : memref<1x1xf32, #tpu.memory_space<vmem>>, vector<1x1xf32>,
    return
  }
}

</mosaic_0001>

<sc_bundles>
// kernel: kernel.5.cloned.1.call-start
scs
__scs_entry_jumppad:
0x0: {  	(pc) =	sbr.rel $0x88, $3  }
0x1: {  	(tag) =	ssettag $0x0;
	lr =	simm.s32 $0x1  }
0x2: {  	[smem:$0x3F9F] =	sst lr;
	_ =	strace $0xD0000000  }
0x3: {  	_ = 	snop  }
0x4: {  	_ = 	snop  }
0x5: {  	_ = 	snop  }
0x6: {  	_ = 	snop  }
0x7: {  	_ = 	snop  }
__scs_overlays_trampoline_lowered:
0x8: {  	[smem:$0x3FAE] =	sst s0  }
0x9: {  	[smem:$0x3FAF] =	sst s1  }
0xa: {  	[smem:$0x3FB0] =	sst s2  }
0xb: {  	[smem:$0x3FB1] =	sst s3  }
0xc: {  	[smem:$0x3FB2] =	sst s4  }
0xd: {  	[smem:$0x3FB3] =	sst s5  }
0xe: {  	[smem:$0x3FB4] =	sst s6  }
0xf: {  	[smem:$0x3FB5] =	sst s7  }
0x10: {  	[smem:$0x3FB6] =	sst s8  }
0x11: {  	[smem:$0x3FB7] =	sst s9;
	s0 =	simm.s32 @!p0 $0x0  }
0x12: {  	s1 =	sld [smem:$0x3F9D];
	s0 =	simm.s32 @p0 $0x1  }
0x13: {  	[smem:$0x3FB8] =	sst s0;
	s0 =	simm.s32 @!p1 $0x0  }
0x14: {  	s2 =	sld [smem:$0x3F9C];
	s0 =	simm.s32 @p1 $0x1  }
0x15: {  	[smem:$0x3FB9] =	sst s0;
	s0 =	simm.s32 @!p2 $0x0  }
0x16: {  	s3 =	sld [smem:$0x3FDB];
	s0 =	simm.s32 @p2 $0x1  }
0x17: {  	s4 =	simm.s32 $0x1BF5;
	[smem:$0x3FBB] =	sst s0  }
0x18: {  	s0 =	sld [smem:$0x3F9E];
	_ =	swait.ge [sflag:s4], $0x0  }
0x19: {  	s7 =	sld [smem:$0x3F9F]  }
0x1a: {  	s8 =	sadd.s32 $0xFFFFE003, lr  }
0x1b: {  	s9 =	sadd.s32 $0xFFFFFEF7, lr;
	s5 =	simm.s32 $0xFFFFFFFF;
	p2 =	slt.u32 s8, $0xFFFFF086  }
0x1c: {  	p1 =	slt.u32 s9, $0xF7A;
	s5 =	simm.s32 @!p2 $0x0  }
0x1d: {  	s5 =	simm.s32 @p1 $0x1;
	p0 =	seq.s32 s7, s2  }
0x1e: {  	s7 =	smul.u32 @!p0 $0xF7A, s2;
	p2 =	seq.s32 @!p0 s5, $0x0  }
0x1f: {  	s9 =	smul.u32 $0xF7A, s1;
	s8 =	simm.s32 @!p0 $0x1BF5;
	p2 =	por !p2, p0  }
0x20: {  	[sflag:s8] =	ssyncset.s32 @!p0 $0xFFFFF086;
	s6 =	sadd.s32 @!p0 s3, s7;
	s7 =	simm.s32 @!p0 $0x108  }
0x21: {  	s3 =	sadd.s32 s3, s9;
	s6 =	sadd.s32 @!p0 $0x88, s6;
	s7 =	simm.s32 @p2 $0x1082  }
0x22: {  	[simem:s7], [sflag:s8] =	dma.local @!p0 [hbm:s6], $0xF7A  }
0x23: {  	s9 =	sor.u32 $0xD0000000, s2;
	s6 =	simm.s32 $0x108;
	_ =	swait.ge @!p0 [sflag:s8], $0x0  }
0x24: {  	s3 =	sadd.s32 $0x88, s3;
	s6 =	simm.s32 @!p1 $0x1082;
	[sflag:s4] =	ssyncset.s32 $0xFFFFF086  }
0x25: {  	[simem:s6], [sflag:s4] =	dma.local [hbm:s3], $0xF7A  }
0x26: {  	[smem:$0x3F9F] =	sst s1;
	(tag) =	ssettag s2;
	_ =	strace s9  }
0x27: {  	s1 =	sld [smem:$0x3FAF]  }
0x28: {  	s2 =	sld [smem:$0x3FB0]  }
0x29: {  	s4 =	sld [smem:$0x3FB2]  }
0x2a: {  	p0 =	seq.s32 s5, $0x0;
	s5 =	sld [smem:$0x3FB3]  }
0x2b: {  	s6 =	sld [smem:$0x3FB4]  }
0x2c: {  	s7 =	sld [smem:$0x3FB5]  }
0x2d: {  	s3 =	simm.s32 $0x108;
	s8 =	sld [smem:$0x3FB6]  }
0x2e: {  	s3 =	simm.s32 @!p0 $0x1082;
	s9 =	sld [smem:$0x3FB7]  }
0x2f: {  	lr =	sadd.s32 s0, s3;
	s0 =	sld [smem:$0x3FAE]  }
0x30: {  	s3 =	sld [smem:$0x3FB1]  }
0x31: {  	[smem:$0x3FBA] =	sst s10  }
0x32: {  	s10 =	sld [smem:$0x3FB8];
	_ =	sdelay $0x3  }
0x33: {  	p0 =	seq.s32 s10, $0x1;
	s10 =	sld [smem:$0x3FBA];
	_ =	sdelay $0x3  }
0x34: {  	[smem:$0x3FBA] =	sst s10  }
0x35: {  	s10 =	sld [smem:$0x3FB9];
	_ =	sdelay $0x3  }
0x36: {  	p1 =	seq.s32 s10, $0x1;
	s10 =	sld [smem:$0x3FBA];
	_ =	sdelay $0x3  }
0x37: {  	[smem:$0x3FBA] =	sst s10  }
0x38: {  	s10 =	sld [smem:$0x3FBB]  }
0x39: {  	_ = 	snop;
	(pc) =	sbr.ind lr, $3  }
0x3a: {  	_ = 	snop  }
0x3b: {  	_ = 	snop  }
0x3c: {  	p2 =	seq.s32 s10, $0x1;
	s10 =	sld [smem:$0x3FBA]  }
0x3d: {  	_ =	shalt  }
0x3e: {  	_ =	shalt  }
0x3f: {  	_ =	shalt  }
0x40: {  	_ =	shalt  }
0x41: {  	_ =	shalt  }
0x42: {  	_ =	shalt  }
0x43: {  	_ =	shalt  }
0x44: {  	_ =	shalt  }
0x45: {  	_ =	shalt  }
0x46: {  	_ =	shalt  }
0x47: {  	_ =	shalt  }
0x48: {  	_ =	shalt  }
0x49: {  	_ =	shalt  }
0x4a: {  	_ =	shalt  }
0x4b: {  	_ =	shalt  }
0x4c: {  	_ =	shalt  }
0x4d: {  	_ =	shalt  }
0x4e: {  	_ =	shalt  }
0x4f: {  	_ =	shalt  }
0x50: {  	_ =	shalt  }
0x51: {  	_ =	shalt  }
0x52: {  	_ =	shalt  }
0x53: {  	_ =	shalt  }
0x54: {  	_ =	shalt  }
0x55: {  	_ =	shalt  }
0x56: {  	_ =	shalt  }
0x57: {  	_ =	shalt  }
0x58: {  	_ =	shalt  }
0x59: {  	_ =	shalt  }
0x5a: {  	_ =	shalt  }
0x5b: {  	_ =	shalt  }
0x5c: {  	_ =	shalt  }
0x5d: {  	_ =	shalt  }
0x5e: {  	_ =	shalt  }
0x5f: {  	_ =	shalt  }
0x60: {  	_ =	shalt  }
0x61: {  	_ =	shalt  }
0x62: {  	_ =	shalt  }
0x63: {  	_ =	shalt  }
0x64: {  	_ =	shalt  }
0x65: {  	_ =	shalt  }
0x66: {  	_ =	shalt  }
0x67: {  	_ =	shalt  }
0x68: {  	_ =	shalt  }
0x69: {  	_ =	shalt  }
0x6a: {  	_ =	shalt  }
0x6b: {  	_ =	shalt  }
0x6c: {  	_ =	shalt  }
0x6d: {  	_ =	shalt  }
0x6e: {  	_ =	shalt  }
0x6f: {  	_ =	shalt  }
0x70: {  	_ =	shalt  }
0x71: {  	_ =	shalt  }
0x72: {  	_ =	shalt  }
0x73: {  	_ =	shalt  }
0x74: {  	_ =	shalt  }
0x75: {  	_ =	shalt  }
0x76: {  	_ =	shalt  }
0x77: {  	_ =	shalt  }
0x78: {  	_ =	shalt  }
0x79: {  	_ =	shalt  }
0x7a: {  	_ =	shalt  }
0x7b: {  	_ =	shalt  }
0x7c: {  	_ =	shalt  }
0x7d: {  	_ =	shalt  }
0x7e: {  	_ =	shalt  }
0x7f: {  	_ =	shalt  }
0x80: {  	_ =	shalt  }
0x81: {  	_ =	shalt  }
0x82: {  	_ =	shalt  }
0x83: {  	_ =	shalt  }
0x84: {  	_ =	shalt  }
0x85: {  	_ =	shalt  }
0x86: {  	_ =	shalt  }
0x87: {  	_ =	shalt  }
.Lfunc_end0:
.L_simem_size_0:
called_computation_lowered:
.L_overlay_start_0:
0x88: {  	s2 =	sld [smem:$0x3FD9]  }
0x89: {  	s3 =	sld [smem:$0x3FFE];
	_ =	sdelay $0x1  }
0x8a: {  	s1 =	srdreg.scid  }
0x8b: {  	s0 =	sand.u32 $0x1, s1  }
0x8c: {  	s14 =	sshll.u32 s0, $0xA;
	s2 =	sadd.s32 s3, s2  }
0x8d: {  	s2 =	sadd.s32 s2, s14  }
0x8e: {  	[smem:$0x3FC6] =	sst s2  }
0x8f: {  	_ = 	snop  }
0x90: {  	s2 =	sld [smem:$0x3FD0];
	_ =	sdelay $0x2  }
0x91: {  	s15 =	simm.s32 $0xA;
	s4 =	simm.s32 $0x10  }
0x92: {  	[smem:s4], [sflag:s15] =	dma.local [hbm:s2], $0x1  }
0x93: {  	_ =	swait.eq [sflag:s15], $0x1  }
0x94: {  	[sflag:s15] =	ssyncset.done $0x0  }
0x95: {  	[sflag:s15] =	ssyncadd.s32 $0xFFFFFFFF  }
0x96: {  	s16 =	sld [smem:$0x10];
	(tm) =	ssettm $0x1  }
0x97: {  	s17 =	sld [smem:$0x3FFB];
	_ =	sdelay $0x3  }
0x98: {  	_ =	strace s17  }
0x99: {  	s3 =	sld [smem:$0x3FFC];
	_ =	sdelay $0x3  }
0x9a: {  	_ =	strace s3  }
0x9b: {  	s3 =	sld [smem:$0x3FFD];
	_ =	sdelay $0x3  }
0x9c: {  	_ =	strace s3  }
0x9d: {  	_ =	strace $0x8FFFFFFF  }
0x9e: {  	s18 =	sld [smem:$0x3FDB];
	_ =	sdelay $0x1  }
0x9f: {  	s19 =	simm.s32 $_scs_section_size  }
0xa0: {  	s5 =	simm.s32 $_size__tile_overlayer_lowered;
	s6 =	simm.s32 $_tile_overlayer_lowered  }
0xa1: {  	s22 =	simm.s32 $0x1BFF;
	s21 =	sshll.u32 s6, $0x1;
	s3 =	sadd.s32 s19, s18  }
0xa2: {  	s7 =	simm.s32 $0x0;
	s20 =	sshll.u32 s5, $0x1;
	s5 =	sadd.s32 s21, s3  }
0xa3: {  	[timem:s7], [sflag:s22] =	dma.local [hbm:s5], s20  }
0xa4: {  	_ =	swait.ge [sflag:s22], s20  }
0xa5: {  	s4 =	ssub.s32 $0x0, s20;
	[sflag:s22] =	ssyncset.done $0x0  }
0xa6: {  	[sflag:s22] =	ssyncadd.s32 s4;
	_ =	sdelay $0x1  }
0xa7: {  	s23 =	simm.s32 $0x1B8B  }
0xa8: {  	_ =	swait.ge [sflag:s23], $0x1  }
0xa9: {  	[sflag:s23] =	ssyncset.done $0x0  }
0xaa: {  	s25 =	simm.s32 $0x1B8E;
	s24 =	sld [smem:$0x3FFE];
	[sflag:s23] =	ssyncadd.s32 $0xFFFFFFFF  }
0xab: {  	s26 =	simm.s32 $execute0_lowered;
	[smem:$0x3FD2] =	sst s25  }
0xac: {  	s5 =	sshll.u32 s26, $0x1;
	_ =	strace $0x80000046;
	[dreg:$0x1] =	wrdreg $0xFFFFFFFF  }
0xad: {  	s28 =	simm.s32 $_size_execute0_lowered;
	s3 =	sadd.s32 s3, s5;
	[dreg:$0x0] =	wrdreg $0x0  }
0xae: {  	s5 =	sshll.u32 s28, $0x1;
	[dreg:$0x2] =	wrdreg s3  }
0xaf: {  	[dreg:$0x3] =	wrdreg s5  }
0xb0: {  	[dreg:$0x4] =	wrdreg $0xC0  }
0xb1: {  	_ =	task [dreg:s7], $0x5FFFF  }
0xb2: {  	[dreg:$0x1] =	wrdreg $0xFFFFFFFF  }
0xb3: {  	[dreg:$0x0] =	wrdreg $0x60  }
0xb4: {  	[dreg:$0x2] =	wrdreg s16  }
0xb5: {  	[dreg:$0x3] =	wrdreg s24  }
0xb6: {  	[dreg:$0x4] =	wrdreg $0x9  }
0xb7: {  	_ =	task.clear_ibuf [dreg:s7], $0x5FFFF;
	_ =	strace $0x90000046  }
0xb8: {  	s29 =	simm.s32 $0x9;
	_ =	strace $0x80000048  }
0xb9: {  	_ =	swait.ge [sflag:s29], $0x1  }
0xba: {  	[sflag:s29] =	ssyncadd.s32 $0xFFFFFFFF  }
0xbb: {  	_ =	strace $0x90000048  }
0xbc: {  	_ =	sfence  }
0xbd: {  	s30 =	sld [smem:$0x0];
	_ =	sdelay $0x2  }
0xbe: {  	s31 =	sshll.u32 s1, $0xD;
	s1 =	sshrl.u32 s1, $0x2  }
0xbf: {  	s3 =	sand.u32 $0x4000, s31;
	s1 =	sadd.s32 s1, s30  }
0xc0: {  	s0 =	sor.u32 s3, s0;
	s1 =	sshll.u32 s1, $0x11  }
0xc1: {  	s0 =	sor.u32 s1, s0  }
0xc2: {  	s0 =	sadd.s32 $0x8F2B, s0  }
0xc3: {  	[sflag:s0] =	ssyncadd.remote.s32 $0x1  }
0xc4: {  	_ =	sfence.sel $0xFFFF  }
0xc5: {  	[dreg:$0x0] =	wrdreg $0xFFFFFFFF;
	(pc) =	sbr.abs _section_cstart, $3  }
0xc6: {  	[dreg:$0x1] =	wrdreg $0xFFFFFFFF  }
0xc7: {  	_ =	task.clear_ibuf [dreg:s7], $0x2FFFF;
	_ =	strace $0x9FFFFFFF  }
0xc8: {  	(tm) =	ssettm $0x7FFFFFFF  }
0xc9: {  	_ =	shalt  }
tec
execute0_lowered:
.L_overlay_start_1:
0x0: {  	(tag) =	ssettag $0x1  }
0x1: {  	s1 =	srdreg.scid  }
0x2: {  	s0 =	stileid.u32;
	s6 =	sand.u32 $0x1, s1  }
0x3: {  	s2 =	rddreg [dreg:$0x0];
	s30 =	sshll.u32 s0, $0x9;
	s3 =	sshll.u32 s6, $0x8  }
0x4: {  	s8 =	rddreg [dreg:$0x1];
	s7 =	simm.s32 $0x1;
	s9 =	sor.u32 s3, s30  }
0x5: {  	s1 =	rddreg [dreg:$0x2];
	s3 =	simm.s32 $0x0;
	s4 =	sshrl.u32 s9, $0x3  }
0x6: {  	s10 =	ssub.s32 $0x2, s6;
	[smem:$0x7FF] =	sst s3;
	s4 =	sadd.s32 s4, s8  }
0x7: {  	_ =	strace $0x80000047;
	s5 =	sadd.s32 $0xC00, s4;
	s4 =	simm.s32 $0x2  }
0x8: {  	[tilespmem:s3], [sflag:$0x2] =	stream.linear.gather [hbm4b:s5+s3], $0x100, $0x38;
	[tilespmem:$0x8100] =	vst v63  }
0x9: {  	s6 =	simm.s32 $0x100;
	s11 =	sshrl.u32 s10, $0x1;
	_ =	swait.ge [sflag:s4], $0x100  }
0xa: {  	s9 =	sshll.u32 s9, $0x4;
	s31 =	ssub.s32 s10, s11;
	[sflag:s4] =	ssyncset.done $0x0  }
0xb: {  	s8 =	sadd.s32 s9, s8;
	s9 =	smax.u32 s31, $0x1;
	[sflag:s4] =	ssyncadd.s32 $0xFFFFFF00  }
0xc: {  	[tilespmem:s6], [sflag:$0x1] =	stream.indirect.gather [hbm4b:s2+s6], $0x80, s3, s6, $0xb8;
	[tilespmem:$0x8100] =	vst v63  }
0xd: {  	p0 =	sne.s32 s9, $0x1;
	_ =	swait.ge [sflag:s7], $0x8000  }
.Ltmp0:
0xe: {  	[sflag:s7] =	ssyncset.done $0x0;
	(pc) =	sbr.rel @!p0 .LBB2_2-.Ltmp0, $4  }
0xf: {  	s8 =	sadd.s32 $0x1000, s8;
	[sflag:s7] =	ssyncadd.s32 $0xFFFF8000  }
0x10: {  	[hbm4b:s8+s3] =	stream.linear.scatter [tilespmem:s6], [sflag:$0x2], $0x8000, $0x38;
	[tilespmem:$0x8100] =	vst v63  }
0x11: {  	_ =	swait.ge [sflag:s4], $0x8000  }
0x12: {  	s9 =	sadd.s32 $0xFFFFFFFF, s9;
	[sflag:s4] =	ssyncset.done $0x0  }
.LBB2_1:
0x13: {  	p0 =	sne.s32 s9, $0x1;
	s9 =	sadd.s32 $0xFFFFFFFF, s9;
	[sflag:s4] =	ssyncadd.s32 $0xFFFF8000  }
0x14: {  	[tilespmem:s3], [sflag:$0x2] =	stream.linear.gather [hbm4b:s5+s3], $0x100, $0x38;
	[tilespmem:$0x8100] =	vst v63  }
0x15: {  	_ =	swait.ge [sflag:s4], $0x100  }
0x16: {  	[sflag:s4] =	ssyncset.done $0x0  }
0x17: {  	[sflag:s4] =	ssyncadd.s32 $0xFFFFFF00  }
0x18: {  	[tilespmem:s6], [sflag:$0x1] =	stream.indirect.gather [hbm4b:s2+s6], $0x80, s3, s6, $0xb8;
	[tilespmem:$0x8100] =	vst v63  }
0x19: {  	_ =	swait.ge [sflag:s7], $0x8000  }
.Ltmp1:
0x1a: {  	[sflag:s7] =	ssyncset.done $0x0;
	(pc) =	sbr.rel @p0 .LBB2_1-.Ltmp1, $4  }
0x1b: {  	[sflag:s7] =	ssyncadd.s32 $0xFFFF8000  }
0x1c: {  	[hbm4b:s8+s3] =	stream.linear.scatter [tilespmem:s6], [sflag:$0x2], $0x8000, $0x38;
	[tilespmem:$0x8100] =	vst v63  }
0x1d: {  	_ =	swait.ge [sflag:s4], $0x8000  }
0x1e: {  	[sflag:s4] =	ssyncset.done $0x0  }
.LBB2_2:
0x1f: {  	[sflag:s4] =	ssyncadd.s32 $0xFFFF8000  }
0x20: {  	_ =	sfence.sel $0x180000  }
0x21: {  	[bflag:$0x0] =	sbarrier.arrive $0xFFFF  }
0x22: {  	p0 =	sne.s32 s0, $0x0;
	_ =	strace $0x90000047  }
0x23: {  	s0 =	sadd.s32 @!p0 $0x100000, s1;
	[bflag:$0x2] =	sbarrier.arrive $0xFFFF  }
0x24: {  	[sflag:s0] =	ssyncadd.tile.s32 @!p0 $0x1;
	_ =	shalt  }
.Lfunc_end2:
_tile_overlayer_lowered:
.L_overlay_start_2:
0x25: {  	(tag) =	ssettag $0x2  }
0x26: {  	s0 =	rddreg [dreg:$0x0];
	s2 =	stileid.u32  }
0x27: {  	s1 =	rddreg [dreg:$0x1];
	p0 =	sne.s32 s2, $0x0  }
0x28: {  	s3 =	rddreg [dreg:$0x2];
	[bflag:$0x3] =	sbarrier.arrive $0xFFFF;
	s2 =	simm.s32 @!p0 $0x1C02  }
0x29: {  	[timem:s3], [sflag:s2] =	dma.local @!p0 [hbm:s0], s1  }
0x2a: {  	s0 =	simm.s32 @!p0 $0x2  }
0x2b: {  	_ =	swait.ge @!p0 [sflag:s0], s1  }
0x2c: {  	s1 =	ssub.s32 @!p0 $0x0, s1;
	[sflag:s0] =	ssyncset.done @!p0 $0x0  }
0x2d: {  	[sflag:s0] =	ssyncadd.s32 @!p0 s1  }
0x2e: {  	[bflag:$0x3] =	sbarrier.arrive $0xFFFF  }
0x2f: {  	_ =	shalt  }

</sc_bundles>
